<compile_context>
chip_gen: v7x
topology: tpu7x:2x2x1
jax: 0.10.2.dev20260603
libtpu: 0.0.44.dev20260713+nightly
codegen_flags: <defaults>
</compile_context>

<pallas_src>
import jax
import jax.numpy as jnp
from jax import lax
from jax.experimental import pallas as pl
from jax.experimental.pallas import tpu as pltpu
from jax.experimental.pallas import tpu_sc as plsc

N = 100000
D = 64
CHUNK = 80
VALID_CHUNKS = N // CHUNK
NC = 2
NS = 16
NW = NC * NS
CPW = 40
NBUF = 5
L = 16
SCALE = 1.0 / (N * D)


def _sc_body(i2t_hbm, nmt_hbm, idx0_hbm, idx1_hbm, out_hbm,
             stage0_v, stage1_v, acc_v, a_bufs, b_bufs, sems):
    wid = lax.axis_index("s") * NC + lax.axis_index("c")
    base_chunk = jnp.minimum(wid * CPW, VALID_CHUNKS - CPW)

    pltpu.sync_copy(idx0_hbm.at[pl.ds(base_chunk * CHUNK, CPW * CHUNK)],
                    stage0_v)
    pltpu.sync_copy(idx1_hbm.at[pl.ds(base_chunk * CHUNK, CPW * CHUNK)],
                    stage1_v)

    def chunk_off(c):
        g = wid * CPW + c
        gc = jnp.minimum(g, VALID_CHUNKS - 1)
        return (gc - base_chunk) * CHUNK

    def issue(c, b):
        off = chunk_off(c)
        pltpu.async_copy(i2t_hbm.at[stage0_v.at[pl.ds(off, CHUNK)]],
                         a_bufs[b], sems[b])
        pltpu.async_copy(nmt_hbm.at[stage1_v.at[pl.ds(off, CHUNK)]],
                         b_bufs[b], sems[b])

    def wait(b):
        off0 = chunk_off(0)
        pltpu.make_async_copy(i2t_hbm.at[stage0_v.at[pl.ds(off0, CHUNK)]],
                              a_bufs[b], sems[b]).wait()
        pltpu.make_async_copy(nmt_hbm.at[stage1_v.at[pl.ds(off0, CHUNK)]],
                              b_bufs[b], sems[b]).wait()

    for b in range(NBUF):
        issue(b, b)

    def outer_body(k, accs):
        for b in range(NBUF):
            c = k * NBUF + b
            wait(b)
            a_v, b_v = a_bufs[b], b_bufs[b]

            def row_body(i, ch):
                out = list(ch)
                for r in range(4):
                    row = i * 4 + r
                    for j in range(4):
                        d = (a_v[row, pl.ds(j * L, L)]
                             - b_v[row, pl.ds(j * L, L)])
                        out[j] = out[j] + d * d
                return tuple(out)

            zero = jnp.zeros((L,), jnp.float32)
            ch = lax.fori_loop(0, CHUNK // 4, row_body,
                               (zero, zero, zero, zero))
            w = jnp.where(wid * CPW + c < VALID_CHUNKS,
                          jnp.float32(1.0), jnp.float32(0.0))
            accs = tuple(t + w * p for t, p in zip(accs, ch))

            @pl.when(c + NBUF < CPW)
            def _():
                issue(c + NBUF, b)
        return accs

    zero = jnp.zeros((L,), jnp.float32)
    accs = lax.fori_loop(0, CPW // NBUF, outer_body, (zero,) * 4)
    total = (accs[0] + accs[1]) + (accs[2] + accs[3])
    acc_v[...] = total * jnp.float32(SCALE)
    pltpu.sync_copy(acc_v, out_hbm.at[wid])


@jax.jit
def _sc_mse(i2t_wemb, nmt_wemb, idx0, idx1):
    mesh = plsc.VectorSubcoreMesh(core_axis_name="c", subcore_axis_name="s",
                                  num_cores=NC, num_subcores=NS)
    f = pl.kernel(
        _sc_body,
        out_type=jax.ShapeDtypeStruct((NW, L), jnp.float32),
        mesh=mesh,
        scratch_types=[
            pltpu.VMEM((CPW * CHUNK,), jnp.int32),
            pltpu.VMEM((CPW * CHUNK,), jnp.int32),
            pltpu.VMEM((L,), jnp.float32),
            [pltpu.VMEM((CHUNK, D), jnp.float32) for _ in range(NBUF)],
            [pltpu.VMEM((CHUNK, D), jnp.float32) for _ in range(NBUF)],
            [pltpu.SemaphoreType.DMA for _ in range(NBUF)],
        ],
        compiler_params=pltpu.CompilerParams(use_tc_tiling_on_sc=False,
                                             needs_layout_passes=False),
    )
    return f(i2t_wemb, nmt_wemb, idx0, idx1)


def kernel(maps, i2t_wemb, nmt_wemb):
    partials = _sc_mse(i2t_wemb, nmt_wemb, maps[:, 0], maps[:, 1])
    return jnp.sum(partials)

# --- scband reference (transcript-rebuilt; emitter-appended) ---
"""Pipeline reference for scband-weight-trans-y-13907104105169 (READ-ONLY COPY).

The authoritative reference and input builder live on the scoring server;
editing this copy changes nothing except your own understanding.
"""

import jax, jax.numpy as jnp
import numpy as np

VOCAB = 100000
DIM = 64
NMAP = 100000

def setup_inputs(seed: int = 0) -> dict:
    key = jax.random.key(seed)
    k1, k2, k3 = jax.random.split(key, 3)
    maps = jax.random.randint(k1, (NMAP, 2), 0, VOCAB, dtype=jnp.int64 if jax.config.jax_enable_x64 else jnp.int32).astype(jnp.int32)
    i2t_wemb = jax.random.normal(k2, (VOCAB, DIM), dtype=jnp.float32)
    nmt_wemb = jax.random.normal(k3, (VOCAB, DIM), dtype=jnp.float32)
    return {"maps": maps, "i2t_wemb": i2t_wemb, "nmt_wemb": nmt_wemb}

def reference(maps, i2t_wemb, nmt_wemb):
    # _target_wemb_i2t = self.i2t_wemb_weights[self.maps[:, 0].long()]
    target_wemb_i2t = jnp.take(i2t_wemb, maps[:, 0], axis=0)
    # _target_wemb_nmt = pivot_wemb_nmt(maps[:, 1])  (embedding lookup)
    target_wemb_nmt = jnp.take(nmt_wemb, maps[:, 1], axis=0)
    # mse_loss: torch.mean((input - target) ** 2); target is detached
    target_wemb_i2t = jax.lax.stop_gradient(target_wemb_i2t)
    loss_0 = jnp.mean((target_wemb_nmt - target_wemb_i2t) ** 2)
    return loss_0

if __name__ == "__main__":
    import jax
    _d = setup_inputs()
    print(jax.jit(kernel)(*tuple(_d.values())))

</pallas_src>

<mosaic_0001>
#map = affine_map<(d0, d1) -> (0, 0)>
#map1 = affine_map<(d0, d1) -> (0)>
module attributes {stable_mosaic.version = 14 : i64} {
  func.func @_sc_body(%arg0: i32, %arg1: i32, %arg2: memref<100000x64xf32, #tpu.memory_space<hbm>>, %arg3: memref<100000x64xf32, #tpu.memory_space<hbm>>, %arg4: memref<100000xi32, #tpu.memory_space<hbm>>, %arg5: memref<100000xi32, #tpu.memory_space<hbm>>, %arg6: memref<32x16xf32, #tpu.memory_space<hbm>>, %arg7: memref<3200xi32, #tpu.memory_space<vmem>>, %arg8: memref<3200xi32, #tpu.memory_space<vmem>>, %arg9: memref<16xf32, #tpu.memory_space<vmem>>, %arg10: memref<80x64xf32, #tpu.memory_space<vmem>>, %arg11: memref<80x64xf32, #tpu.memory_space<vmem>>, %arg12: memref<80x64xf32, #tpu.memory_space<vmem>>, %arg13: memref<80x64xf32, #tpu.memory_space<vmem>>, %arg14: memref<80x64xf32, #tpu.memory_space<vmem>>, %arg15: memref<80x64xf32, #tpu.memory_space<vmem>>, %arg16: memref<80x64xf32, #tpu.memory_space<vmem>>, %arg17: memref<80x64xf32, #tpu.memory_space<vmem>>, %arg18: memref<80x64xf32, #tpu.memory_space<vmem>>, %arg19: memref<80x64xf32, #tpu.memory_space<vmem>>, %arg20: memref<!tpu.dma_semaphore, #tpu.memory_space<semaphore_mem>>, %arg21: memref<!tpu.dma_semaphore, #tpu.memory_space<semaphore_mem>>, %arg22: memref<!tpu.dma_semaphore, #tpu.memory_space<semaphore_mem>>, %arg23: memref<!tpu.dma_semaphore, #tpu.memory_space<semaphore_mem>>, %arg24: memref<!tpu.dma_semaphore, #tpu.memory_space<semaphore_mem>>) attributes {dimension_semantics = [#tpu.dimension_semantics<core_parallel>, #tpu.dimension_semantics<subcore_parallel>], iteration_bounds = array<i64: 2, 16>, scalar_prefetch = 0 : i64, scratch_operands = 18 : i64, tpu.core_type = #tpu.core_type<sc_vector_subcore>, window_params = [{transform_indices = #map}, {transform_indices = #map}, {transform_indices = #map1}, {transform_indices = #map1}, {transform_indices = #map}]} {
    %mul3A = arith.constant 2 : i32
    %mul3A_0 = arith.muli %arg1, %mul3A : i32
    %add3A = arith.addi %mul3A_0, %arg0 : i32
    %mul3A_1 = arith.constant 40 : i32
    %mul3A_2 = arith.muli %add3A, %mul3A_1 : i32
    %min3A = arith.constant 1210 : i32
    %min3A_3 = arith.minsi %mul3A_2, %min3A : i32
    %mul3A_4 = arith.constant 80 : i32
    %mul3A_5 = arith.muli %min3A_3, %mul3A_4 : i32
    "tpu.region"() ({
      %run_scoped3A = tpu.sem_alloc : memref<!tpu.dma_semaphore, #tpu.memory_space<semaphore_mem>>
      %dma_start3A_104 = tpu.memref_slice %arg4[%mul3A_5] : memref<100000xi32, #tpu.memory_space<hbm>> -> memref<3200xi32, #tpu.memory_space<hbm>>
      %dma_start3A_105 = tpu.memref_slice %arg4[%mul3A_5] : memref<100000xi32, #tpu.memory_space<hbm>> -> memref<3200xi32, #tpu.memory_space<hbm>>
      tpu.enqueue_dma source(%dma_start3A_105 : memref<3200xi32, #tpu.memory_space<hbm>>) target(%arg7 : memref<3200xi32, #tpu.memory_space<vmem>>) target_semaphore(%run_scoped3A : memref<!tpu.dma_semaphore, #tpu.memory_space<semaphore_mem>>)
      %dma_wait3A = tpu.memref_slice %arg4[%mul3A_5] : memref<100000xi32, #tpu.memory_space<hbm>> -> memref<3200xi32, #tpu.memory_space<hbm>>
      %dma_wait3A_106 = tpu.memref_slice %arg4[%mul3A_5] : memref<100000xi32, #tpu.memory_space<hbm>> -> memref<3200xi32, #tpu.memory_space<hbm>>
      tpu.wait_dma2 semaphore(%run_scoped3A : memref<!tpu.dma_semaphore, #tpu.memory_space<semaphore_mem>>) src(%dma_wait3A_106 : memref<3200xi32, #tpu.memory_space<hbm>>) dst(%arg7 : memref<3200xi32, #tpu.memory_space<vmem>>)
      tpu.yield
    }) : () -> ()
    %mul3A_6 = arith.constant 80 : i32
    %mul3A_7 = arith.muli %min3A_3, %mul3A_6 : i32
    "tpu.region"() ({
      %run_scoped3A = tpu.sem_alloc : memref<!tpu.dma_semaphore, #tpu.memory_space<semaphore_mem>>
      %dma_start3A_104 = tpu.memref_slice %arg5[%mul3A_7] : memref<100000xi32, #tpu.memory_space<hbm>> -> memref<3200xi32, #tpu.memory_space<hbm>>
      %dma_start3A_105 = tpu.memref_slice %arg5[%mul3A_7] : memref<100000xi32, #tpu.memory_space<hbm>> -> memref<3200xi32, #tpu.memory_space<hbm>>
      tpu.enqueue_dma source(%dma_start3A_105 : memref<3200xi32, #tpu.memory_space<hbm>>) target(%arg8 : memref<3200xi32, #tpu.memory_space<vmem>>) target_semaphore(%run_scoped3A : memref<!tpu.dma_semaphore, #tpu.memory_space<semaphore_mem>>)
      %dma_wait3A = tpu.memref_slice %arg5[%mul3A_7] : memref<100000xi32, #tpu.memory_space<hbm>> -> memref<3200xi32, #tpu.memory_space<hbm>>
      %dma_wait3A_106 = tpu.memref_slice %arg5[%mul3A_7] : memref<100000xi32, #tpu.memory_space<hbm>> -> memref<3200xi32, #tpu.memory_space<hbm>>
      tpu.wait_dma2 semaphore(%run_scoped3A : memref<!tpu.dma_semaphore, #tpu.memory_space<semaphore_mem>>) src(%dma_wait3A_106 : memref<3200xi32, #tpu.memory_space<hbm>>) dst(%arg8 : memref<3200xi32, #tpu.memory_space<vmem>>)
      tpu.yield
    }) : () -> ()
    %mul3A_8 = arith.constant 40 : i32
    %mul3A_9 = arith.muli %add3A, %mul3A_8 : i32
    %add3A_10 = arith.constant 0 : i32
    %add3A_11 = arith.addi %mul3A_9, %add3A_10 : i32
    %min3A_12 = arith.constant 1249 : i32
    %min3A_13 = arith.minsi %add3A_11, %min3A_12 : i32
    %sub3A = arith.subi %min3A_13, %min3A_3 : i32
    %mul3A_14 = arith.constant 80 : i32
    %mul3A_15 = arith.muli %sub3A, %mul3A_14 : i32
    %dma_start3A = tpu.memref_slice %arg7[%mul3A_15] : memref<3200xi32, #tpu.memory_space<vmem>> -> memref<80xi32, #tpu.memory_space<vmem>>
    %dma_start3A_16 = arith.constant 0 : i32
    %dma_start3A_17 = arith.constant 0 : i32
    %dma_start3A_18 = tpu.memref_slice %arg2[%dma_start3A_16, %dma_start3A_17] : memref<100000x64xf32, #tpu.memory_space<hbm>> -> memref<100000x64xf32, #tpu.memory_space<hbm>>
    tpu.enqueue_indirect_dma source(%dma_start3A_18 : memref<100000x64xf32, #tpu.memory_space<hbm>>) target(%arg10 : memref<80x64xf32, #tpu.memory_space<vmem>>) offsets(%dma_start3A : memref<80xi32, #tpu.memory_space<vmem>>) semaphore(%arg20 : memref<!tpu.dma_semaphore, #tpu.memory_space<semaphore_mem>>)
    %dma_start3A_19 = tpu.memref_slice %arg8[%mul3A_15] : memref<3200xi32, #tpu.memory_space<vmem>> -> memref<80xi32, #tpu.memory_space<vmem>>
    %dma_start3A_20 = arith.constant 0 : i32
    %dma_start3A_21 = arith.constant 0 : i32
    %dma_start3A_22 = tpu.memref_slice %arg3[%dma_start3A_20, %dma_start3A_21] : memref<100000x64xf32, #tpu.memory_space<hbm>> -> memref<100000x64xf32, #tpu.memory_space<hbm>>
    tpu.enqueue_indirect_dma source(%dma_start3A_22 : memref<100000x64xf32, #tpu.memory_space<hbm>>) target(%arg15 : memref<80x64xf32, #tpu.memory_space<vmem>>) offsets(%dma_start3A_19 : memref<80xi32, #tpu.memory_space<vmem>>) semaphore(%arg20 : memref<!tpu.dma_semaphore, #tpu.memory_space<semaphore_mem>>)
    %mul3A_23 = arith.constant 40 : i32
    %mul3A_24 = arith.muli %add3A, %mul3A_23 : i32
    %add3A_25 = arith.constant 1 : i32
    %add3A_26 = arith.addi %mul3A_24, %add3A_25 : i32
    %min3A_27 = arith.constant 1249 : i32
    %min3A_28 = arith.minsi %add3A_26, %min3A_27 : i32
    %sub3A_29 = arith.subi %min3A_28, %min3A_3 : i32
    %mul3A_30 = arith.constant 80 : i32
    %mul3A_31 = arith.muli %sub3A_29, %mul3A_30 : i32
    %dma_start3A_32 = tpu.memref_slice %arg7[%mul3A_31] : memref<3200xi32, #tpu.memory_space<vmem>> -> memref<80xi32, #tpu.memory_space<vmem>>
    %dma_start3A_33 = arith.constant 0 : i32
    %dma_start3A_34 = arith.constant 0 : i32
    %dma_start3A_35 = tpu.memref_slice %arg2[%dma_start3A_33, %dma_start3A_34] : memref<100000x64xf32, #tpu.memory_space<hbm>> -> memref<100000x64xf32, #tpu.memory_space<hbm>>
    tpu.enqueue_indirect_dma source(%dma_start3A_35 : memref<100000x64xf32, #tpu.memory_space<hbm>>) target(%arg11 : memref<80x64xf32, #tpu.memory_space<vmem>>) offsets(%dma_start3A_32 : memref<80xi32, #tpu.memory_space<vmem>>) semaphore(%arg21 : memref<!tpu.dma_semaphore, #tpu.memory_space<semaphore_mem>>)
    %dma_start3A_36 = tpu.memref_slice %arg8[%mul3A_31] : memref<3200xi32, #tpu.memory_space<vmem>> -> memref<80xi32, #tpu.memory_space<vmem>>
    %dma_start3A_37 = arith.constant 0 : i32
    %dma_start3A_38 = arith.constant 0 : i32
    %dma_start3A_39 = tpu.memref_slice %arg3[%dma_start3A_37, %dma_start3A_38] : memref<100000x64xf32, #tpu.memory_space<hbm>> -> memref<100000x64xf32, #tpu.memory_space<hbm>>
    tpu.enqueue_indirect_dma source(%dma_start3A_39 : memref<100000x64xf32, #tpu.memory_space<hbm>>) target(%arg16 : memref<80x64xf32, #tpu.memory_space<vmem>>) offsets(%dma_start3A_36 : memref<80xi32, #tpu.memory_space<vmem>>) semaphore(%arg21 : memref<!tpu.dma_semaphore, #tpu.memory_space<semaphore_mem>>)
    %mul3A_40 = arith.constant 40 : i32
    %mul3A_41 = arith.muli %add3A, %mul3A_40 : i32
    %add3A_42 = arith.constant 2 : i32
    %add3A_43 = arith.addi %mul3A_41, %add3A_42 : i32
    %min3A_44 = arith.constant 1249 : i32
    %min3A_45 = arith.minsi %add3A_43, %min3A_44 : i32
    %sub3A_46 = arith.subi %min3A_45, %min3A_3 : i32
    %mul3A_47 = arith.constant 80 : i32
    %mul3A_48 = arith.muli %sub3A_46, %mul3A_47 : i32
    %dma_start3A_49 = tpu.memref_slice %arg7[%mul3A_48] : memref<3200xi32, #tpu.memory_space<vmem>> -> memref<80xi32, #tpu.memory_space<vmem>>
    %dma_start3A_50 = arith.constant 0 : i32
    %dma_start3A_51 = arith.constant 0 : i32
    %dma_start3A_52 = tpu.memref_slice %arg2[%dma_start3A_50, %dma_start3A_51] : memref<100000x64xf32, #tpu.memory_space<hbm>> -> memref<100000x64xf32, #tpu.memory_space<hbm>>
    tpu.enqueue_indirect_dma source(%dma_start3A_52 : memref<100000x64xf32, #tpu.memory_space<hbm>>) target(%arg12 : memref<80x64xf32, #tpu.memory_space<vmem>>) offsets(%dma_start3A_49 : memref<80xi32, #tpu.memory_space<vmem>>) semaphore(%arg22 : memref<!tpu.dma_semaphore, #tpu.memory_space<semaphore_mem>>)
    %dma_start3A_53 = tpu.memref_slice %arg8[%mul3A_48] : memref<3200xi32, #tpu.memory_space<vmem>> -> memref<80xi32, #tpu.memory_space<vmem>>
    %dma_start3A_54 = arith.constant 0 : i32
    %dma_start3A_55 = arith.constant 0 : i32
    %dma_start3A_56 = tpu.memref_slice %arg3[%dma_start3A_54, %dma_start3A_55] : memref<100000x64xf32, #tpu.memory_space<hbm>> -> memref<100000x64xf32, #tpu.memory_space<hbm>>
    tpu.enqueue_indirect_dma source(%dma_start3A_56 : memref<100000x64xf32, #tpu.memory_space<hbm>>) target(%arg17 : memref<80x64xf32, #tpu.memory_space<vmem>>) offsets(%dma_start3A_53 : memref<80xi32, #tpu.memory_space<vmem>>) semaphore(%arg22 : memref<!tpu.dma_semaphore, #tpu.memory_space<semaphore_mem>>)
    %mul3A_57 = arith.constant 40 : i32
    %mul3A_58 = arith.muli %add3A, %mul3A_57 : i32
    %add3A_59 = arith.constant 3 : i32
    %add3A_60 = arith.addi %mul3A_58, %add3A_59 : i32
    %min3A_61 = arith.constant 1249 : i32
    %min3A_62 = arith.minsi %add3A_60, %min3A_61 : i32
    %sub3A_63 = arith.subi %min3A_62, %min3A_3 : i32
    %mul3A_64 = arith.constant 80 : i32
    %mul3A_65 = arith.muli %sub3A_63, %mul3A_64 : i32
    %dma_start3A_66 = tpu.memref_slice %arg7[%mul3A_65] : memref<3200xi32, #tpu.memory_space<vmem>> -> memref<80xi32, #tpu.memory_space<vmem>>
    %dma_start3A_67 = arith.constant 0 : i32
    %dma_start3A_68 = arith.constant 0 : i32
    %dma_start3A_69 = tpu.memref_slice %arg2[%dma_start3A_67, %dma_start3A_68] : memref<100000x64xf32, #tpu.memory_space<hbm>> -> memref<100000x64xf32, #tpu.memory_space<hbm>>
    tpu.enqueue_indirect_dma source(%dma_start3A_69 : memref<100000x64xf32, #tpu.memory_space<hbm>>) target(%arg13 : memref<80x64xf32, #tpu.memory_space<vmem>>) offsets(%dma_start3A_66 : memref<80xi32, #tpu.memory_space<vmem>>) semaphore(%arg23 : memref<!tpu.dma_semaphore, #tpu.memory_space<semaphore_mem>>)
    %dma_start3A_70 = tpu.memref_slice %arg8[%mul3A_65] : memref<3200xi32, #tpu.memory_space<vmem>> -> memref<80xi32, #tpu.memory_space<vmem>>
    %dma_start3A_71 = arith.constant 0 : i32
    %dma_start3A_72 = arith.constant 0 : i32
    %dma_start3A_73 = tpu.memref_slice %arg3[%dma_start3A_71, %dma_start3A_72] : memref<100000x64xf32, #tpu.memory_space<hbm>> -> memref<100000x64xf32, #tpu.memory_space<hbm>>
    tpu.enqueue_indirect_dma source(%dma_start3A_73 : memref<100000x64xf32, #tpu.memory_space<hbm>>) target(%arg18 : memref<80x64xf32, #tpu.memory_space<vmem>>) offsets(%dma_start3A_70 : memref<80xi32, #tpu.memory_space<vmem>>) semaphore(%arg23 : memref<!tpu.dma_semaphore, #tpu.memory_space<semaphore_mem>>)
    %mul3A_74 = arith.constant 40 : i32
    %mul3A_75 = arith.muli %add3A, %mul3A_74 : i32
    %add3A_76 = arith.constant 4 : i32
    %add3A_77 = arith.addi %mul3A_75, %add3A_76 : i32
    %min3A_78 = arith.constant 1249 : i32
    %min3A_79 = arith.minsi %add3A_77, %min3A_78 : i32
    %sub3A_80 = arith.subi %min3A_79, %min3A_3 : i32
    %mul3A_81 = arith.constant 80 : i32
    %mul3A_82 = arith.muli %sub3A_80, %mul3A_81 : i32
    %dma_start3A_83 = tpu.memref_slice %arg7[%mul3A_82] : memref<3200xi32, #tpu.memory_space<vmem>> -> memref<80xi32, #tpu.memory_space<vmem>>
    %dma_start3A_84 = arith.constant 0 : i32
    %dma_start3A_85 = arith.constant 0 : i32
    %dma_start3A_86 = tpu.memref_slice %arg2[%dma_start3A_84, %dma_start3A_85] : memref<100000x64xf32, #tpu.memory_space<hbm>> -> memref<100000x64xf32, #tpu.memory_space<hbm>>
    tpu.enqueue_indirect_dma source(%dma_start3A_86 : memref<100000x64xf32, #tpu.memory_space<hbm>>) target(%arg14 : memref<80x64xf32, #tpu.memory_space<vmem>>) offsets(%dma_start3A_83 : memref<80xi32, #tpu.memory_space<vmem>>) semaphore(%arg24 : memref<!tpu.dma_semaphore, #tpu.memory_space<semaphore_mem>>)
    %dma_start3A_87 = tpu.memref_slice %arg8[%mul3A_82] : memref<3200xi32, #tpu.memory_space<vmem>> -> memref<80xi32, #tpu.memory_space<vmem>>
    %dma_start3A_88 = arith.constant 0 : i32
    %dma_start3A_89 = arith.constant 0 : i32
    %dma_start3A_90 = tpu.memref_slice %arg3[%dma_start3A_88, %dma_start3A_89] : memref<100000x64xf32, #tpu.memory_space<hbm>> -> memref<100000x64xf32, #tpu.memory_space<hbm>>
    tpu.enqueue_indirect_dma source(%dma_start3A_90 : memref<100000x64xf32, #tpu.memory_space<hbm>>) target(%arg19 : memref<80x64xf32, #tpu.memory_space<vmem>>) offsets(%dma_start3A_87 : memref<80xi32, #tpu.memory_space<vmem>>) semaphore(%arg24 : memref<!tpu.dma_semaphore, #tpu.memory_space<semaphore_mem>>)
    %broadcast_in_dim3A = arith.constant 0.000000e+00 : f32
    %broadcast_in_dim3A_91 = vector.broadcast %broadcast_in_dim3A : f32 to vector<16xf32>
    %scan3A = arith.constant 0 : i32
    %scan3A_92 = arith.constant 8 : i32
    %scan3A_93 = arith.addi %scan3A, %scan3A_92 : i32
    %scan3A_94 = arith.constant 1 : i32
    %scan3A_95:4 = scf.for %scan3A_104 = %scan3A to %scan3A_93 step %scan3A_94 iter_args(%scan3A_105 = %broadcast_in_dim3A_91, %scan3A_106 = %broadcast_in_dim3A_91, %scan3A_107 = %broadcast_in_dim3A_91, %scan3A_108 = %broadcast_in_dim3A_91) -> (vector<16xf32>, vector<16xf32>, vector<16xf32>, vector<16xf32>)  : i32 {
      %mul3A_109 = arith.constant 5 : i32
      %mul3A_110 = arith.muli %scan3A_104, %mul3A_109 : i32
      %add3A_111 = arith.constant 0 : i32
      %add3A_112 = arith.addi %mul3A_110, %add3A_111 : i32
      %mul3A_113 = arith.constant 40 : i32
      %mul3A_114 = arith.muli %add3A, %mul3A_113 : i32
      %add3A_115 = arith.constant 0 : i32
      %add3A_116 = arith.addi %mul3A_114, %add3A_115 : i32
      %min3A_117 = arith.constant 1249 : i32
      %min3A_118 = arith.minsi %add3A_116, %min3A_117 : i32
      %sub3A_119 = arith.subi %min3A_118, %min3A_3 : i32
      %mul3A_120 = arith.constant 80 : i32
      %mul3A_121 = arith.muli %sub3A_119, %mul3A_120 : i32
      %dma_wait3A = tpu.memref_slice %arg7[%mul3A_121] : memref<3200xi32, #tpu.memory_space<vmem>> -> memref<80xi32, #tpu.memory_space<vmem>>
      %dma_wait3A_122 = arith.constant 0 : i32
      %dma_wait3A_123 = arith.constant 0 : i32
      %dma_wait3A_124 = tpu.memref_slice %arg2[%dma_wait3A_122, %dma_wait3A_123] : memref<100000x64xf32, #tpu.memory_space<hbm>> -> memref<100000x64xf32, #tpu.memory_space<hbm>>
      tpu.wait_indirect_dma semaphore(%arg20 : memref<!tpu.dma_semaphore, #tpu.memory_space<semaphore_mem>>) src(%dma_wait3A_124 : memref<100000x64xf32, #tpu.memory_space<hbm>>) dst(%arg10 : memref<80x64xf32, #tpu.memory_space<vmem>>)
      %dma_wait3A_125 = tpu.memref_slice %arg8[%mul3A_121] : memref<3200xi32, #tpu.memory_space<vmem>> -> memref<80xi32, #tpu.memory_space<vmem>>
      %dma_wait3A_126 = arith.constant 0 : i32
      %dma_wait3A_127 = arith.constant 0 : i32
      %dma_wait3A_128 = tpu.memref_slice %arg3[%dma_wait3A_126, %dma_wait3A_127] : memref<100000x64xf32, #tpu.memory_space<hbm>> -> memref<100000x64xf32, #tpu.memory_space<hbm>>
      tpu.wait_indirect_dma semaphore(%arg20 : memref<!tpu.dma_semaphore, #tpu.memory_space<semaphore_mem>>) src(%dma_wait3A_128 : memref<100000x64xf32, #tpu.memory_space<hbm>>) dst(%arg15 : memref<80x64xf32, #tpu.memory_space<vmem>>)
      %broadcast_in_dim3A_129 = arith.constant 0.000000e+00 : f32
      %broadcast_in_dim3A_130 = vector.broadcast %broadcast_in_dim3A_129 : f32 to vector<16xf32>
      %scan3A_131 = arith.constant 0 : i32
      %scan3A_132 = arith.constant 20 : i32
      %scan3A_133 = arith.addi %scan3A_131, %scan3A_132 : i32
      %scan3A_134 = arith.constant 1 : i32
      %scan3A_135:4 = scf.for %scan3A_383 = %scan3A_131 to %scan3A_133 step %scan3A_134 iter_args(%scan3A_384 = %broadcast_in_dim3A_130, %scan3A_385 = %broadcast_in_dim3A_130, %scan3A_386 = %broadcast_in_dim3A_130, %scan3A_387 = %broadcast_in_dim3A_130) -> (vector<16xf32>, vector<16xf32>, vector<16xf32>, vector<16xf32>)  : i32 {
        %mul3A_388 = arith.constant 4 : i32
        %mul3A_389 = arith.muli %scan3A_383, %mul3A_388 : i32
        %add3A_390 = arith.constant 0 : i32
        %add3A_391 = arith.addi %mul3A_389, %add3A_390 : i32
        %get3A = arith.index_cast %add3A_391 : i32 to index
        %get3A_392 = arith.constant 0 : index
        %get3A_393 = tpu.vector_load %arg10[%get3A, %get3A_392] {strides = array<i32>} : memref<80x64xf32, #tpu.memory_space<vmem>>, vector<16xf32>,
        %get3A_394 = arith.index_cast %add3A_391 : i32 to index
        %get3A_395 = arith.constant 0 : index
        %get3A_396 = tpu.vector_load %arg15[%get3A_394, %get3A_395] {strides = array<i32>} : memref<80x64xf32, #tpu.memory_space<vmem>>, vector<16xf32>,
        %sub3A_397 = arith.subf %get3A_393, %get3A_396 : vector<16xf32>
        %mul3A_398 = arith.mulf %sub3A_397, %sub3A_397 : vector<16xf32>
        %add3A_399 = arith.addf %scan3A_384, %mul3A_398 : vector<16xf32>
        %get3A_400 = arith.index_cast %add3A_391 : i32 to index
        %get3A_401 = arith.constant 16 : index
        %get3A_402 = tpu.vector_load %arg10[%get3A_400, %get3A_401] {strides = array<i32>} : memref<80x64xf32, #tpu.memory_space<vmem>>, vector<16xf32>,
        %get3A_403 = arith.index_cast %add3A_391 : i32 to index
        %get3A_404 = arith.constant 16 : index
        %get3A_405 = tpu.vector_load %arg15[%get3A_403, %get3A_404] {strides = array<i32>} : memref<80x64xf32, #tpu.memory_space<vmem>>, vector<16xf32>,
        %sub3A_406 = arith.subf %get3A_402, %get3A_405 : vector<16xf32>
        %mul3A_407 = arith.mulf %sub3A_406, %sub3A_406 : vector<16xf32>
        %add3A_408 = arith.addf %scan3A_385, %mul3A_407 : vector<16xf32>
        %get3A_409 = arith.index_cast %add3A_391 : i32 to index
        %get3A_410 = arith.constant 32 : index
        %get3A_411 = tpu.vector_load %arg10[%get3A_409, %get3A_410] {strides = array<i32>} : memref<80x64xf32, #tpu.memory_space<vmem>>, vector<16xf32>,
        %get3A_412 = arith.index_cast %add3A_391 : i32 to index
        %get3A_413 = arith.constant 32 : index
        %get3A_414 = tpu.vector_load %arg15[%get3A_412, %get3A_413] {strides = array<i32>} : memref<80x64xf32, #tpu.memory_space<vmem>>, vector<16xf32>,
        %sub3A_415 = arith.subf %get3A_411, %get3A_414 : vector<16xf32>
        %mul3A_416 = arith.mulf %sub3A_415, %sub3A_415 : vector<16xf32>
        %add3A_417 = arith.addf %scan3A_386, %mul3A_416 : vector<16xf32>
        %get3A_418 = arith.index_cast %add3A_391 : i32 to index
        %get3A_419 = arith.constant 48 : index
        %get3A_420 = tpu.vector_load %arg10[%get3A_418, %get3A_419] {strides = array<i32>} : memref<80x64xf32, #tpu.memory_space<vmem>>, vector<16xf32>,
        %get3A_421 = arith.index_cast %add3A_391 : i32 to index
        %get3A_422 = arith.constant 48 : index
        %get3A_423 = tpu.vector_load %arg15[%get3A_421, %get3A_422] {strides = array<i32>} : memref<80x64xf32, #tpu.memory_space<vmem>>, vector<16xf32>,
        %sub3A_424 = arith.subf %get3A_420, %get3A_423 : vector<16xf32>
        %mul3A_425 = arith.mulf %sub3A_424, %sub3A_424 : vector<16xf32>
        %add3A_426 = arith.addf %scan3A_387, %mul3A_425 : vector<16xf32>
        %mul3A_427 = arith.constant 4 : i32
        %mul3A_428 = arith.muli %scan3A_383, %mul3A_427 : i32
        %add3A_429 = arith.constant 1 : i32
        %add3A_430 = arith.addi %mul3A_428, %add3A_429 : i32
        %get3A_431 = arith.index_cast %add3A_430 : i32 to index
        %get3A_432 = arith.constant 0 : index
        %get3A_433 = tpu.vector_load %arg10[%get3A_431, %get3A_432] {strides = array<i32>} : memref<80x64xf32, #tpu.memory_space<vmem>>, vector<16xf32>,
        %get3A_434 = arith.index_cast %add3A_430 : i32 to index
        %get3A_435 = arith.constant 0 : index
        %get3A_436 = tpu.vector_load %arg15[%get3A_434, %get3A_435] {strides = array<i32>} : memref<80x64xf32, #tpu.memory_space<vmem>>, vector<16xf32>,
        %sub3A_437 = arith.subf %get3A_433, %get3A_436 : vector<16xf32>
        %mul3A_438 = arith.mulf %sub3A_437, %sub3A_437 : vector<16xf32>
        %add3A_439 = arith.addf %add3A_399, %mul3A_438 : vector<16xf32>
        %get3A_440 = arith.index_cast %add3A_430 : i32 to index
        %get3A_441 = arith.constant 16 : index
        %get3A_442 = tpu.vector_load %arg10[%get3A_440, %get3A_441] {strides = array<i32>} : memref<80x64xf32, #tpu.memory_space<vmem>>, vector<16xf32>,
        %get3A_443 = arith.index_cast %add3A_430 : i32 to index
        %get3A_444 = arith.constant 16 : index
        %get3A_445 = tpu.vector_load %arg15[%get3A_443, %get3A_444] {strides = array<i32>} : memref<80x64xf32, #tpu.memory_space<vmem>>, vector<16xf32>,
        %sub3A_446 = arith.subf %get3A_442, %get3A_445 : vector<16xf32>
        %mul3A_447 = arith.mulf %sub3A_446, %sub3A_446 : vector<16xf32>
        %add3A_448 = arith.addf %add3A_408, %mul3A_447 : vector<16xf32>
        %get3A_449 = arith.index_cast %add3A_430 : i32 to index
        %get3A_450 = arith.constant 32 : index
        %get3A_451 = tpu.vector_load %arg10[%get3A_449, %get3A_450] {strides = array<i32>} : memref<80x64xf32, #tpu.memory_space<vmem>>, vector<16xf32>,
        %get3A_452 = arith.index_cast %add3A_430 : i32 to index
        %get3A_453 = arith.constant 32 : index
        %get3A_454 = tpu.vector_load %arg15[%get3A_452, %get3A_453] {strides = array<i32>} : memref<80x64xf32, #tpu.memory_space<vmem>>, vector<16xf32>,
        %sub3A_455 = arith.subf %get3A_451, %get3A_454 : vector<16xf32>
        %mul3A_456 = arith.mulf %sub3A_455, %sub3A_455 : vector<16xf32>
        %add3A_457 = arith.addf %add3A_417, %mul3A_456 : vector<16xf32>
        %get3A_458 = arith.index_cast %add3A_430 : i32 to index
        %get3A_459 = arith.constant 48 : index
        %get3A_460 = tpu.vector_load %arg10[%get3A_458, %get3A_459] {strides = array<i32>} : memref<80x64xf32, #tpu.memory_space<vmem>>, vector<16xf32>,
        %get3A_461 = arith.index_cast %add3A_430 : i32 to index
        %get3A_462 = arith.constant 48 : index
        %get3A_463 = tpu.vector_load %arg15[%get3A_461, %get3A_462] {strides = array<i32>} : memref<80x64xf32, #tpu.memory_space<vmem>>, vector<16xf32>,
        %sub3A_464 = arith.subf %get3A_460, %get3A_463 : vector<16xf32>
        %mul3A_465 = arith.mulf %sub3A_464, %sub3A_464 : vector<16xf32>
        %add3A_466 = arith.addf %add3A_426, %mul3A_465 : vector<16xf32>
        %mul3A_467 = arith.constant 4 : i32
        %mul3A_468 = arith.muli %scan3A_383, %mul3A_467 : i32
        %add3A_469 = arith.constant 2 : i32
        %add3A_470 = arith.addi %mul3A_468, %add3A_469 : i32
        %get3A_471 = arith.index_cast %add3A_470 : i32 to index
        %get3A_472 = arith.constant 0 : index
        %get3A_473 = tpu.vector_load %arg10[%get3A_471, %get3A_472] {strides = array<i32>} : memref<80x64xf32, #tpu.memory_space<vmem>>, vector<16xf32>,
        %get3A_474 = arith.index_cast %add3A_470 : i32 to index
        %get3A_475 = arith.constant 0 : index
        %get3A_476 = tpu.vector_load %arg15[%get3A_474, %get3A_475] {strides = array<i32>} : memref<80x64xf32, #tpu.memory_space<vmem>>, vector<16xf32>,
        %sub3A_477 = arith.subf %get3A_473, %get3A_476 : vector<16xf32>
        %mul3A_478 = arith.mulf %sub3A_477, %sub3A_477 : vector<16xf32>
        %add3A_479 = arith.addf %add3A_439, %mul3A_478 : vector<16xf32>
        %get3A_480 = arith.index_cast %add3A_470 : i32 to index
        %get3A_481 = arith.constant 16 : index
        %get3A_482 = tpu.vector_load %arg10[%get3A_480, %get3A_481] {strides = array<i32>} : memref<80x64xf32, #tpu.memory_space<vmem>>, vector<16xf32>,
        %get3A_483 = arith.index_cast %add3A_470 : i32 to index
        %get3A_484 = arith.constant 16 : index
        %get3A_485 = tpu.vector_load %arg15[%get3A_483, %get3A_484] {strides = array<i32>} : memref<80x64xf32, #tpu.memory_space<vmem>>, vector<16xf32>,
        %sub3A_486 = arith.subf %get3A_482, %get3A_485 : vector<16xf32>
        %mul3A_487 = arith.mulf %sub3A_486, %sub3A_486 : vector<16xf32>
        %add3A_488 = arith.addf %add3A_448, %mul3A_487 : vector<16xf32>
        %get3A_489 = arith.index_cast %add3A_470 : i32 to index
        %get3A_490 = arith.constant 32 : index
        %get3A_491 = tpu.vector_load %arg10[%get3A_489, %get3A_490] {strides = array<i32>} : memref<80x64xf32, #tpu.memory_space<vmem>>, vector<16xf32>,
        %get3A_492 = arith.index_cast %add3A_470 : i32 to index
        %get3A_493 = arith.constant 32 : index
        %get3A_494 = tpu.vector_load %arg15[%get3A_492, %get3A_493] {strides = array<i32>} : memref<80x64xf32, #tpu.memory_space<vmem>>, vector<16xf32>,
        %sub3A_495 = arith.subf %get3A_491, %get3A_494 : vector<16xf32>
        %mul3A_496 = arith.mulf %sub3A_495, %sub3A_495 : vector<16xf32>
        %add3A_497 = arith.addf %add3A_457, %mul3A_496 : vector<16xf32>
        %get3A_498 = arith.index_cast %add3A_470 : i32 to index
        %get3A_499 = arith.constant 48 : index
        %get3A_500 = tpu.vector_load %arg10[%get3A_498, %get3A_499] {strides = array<i32>} : memref<80x64xf32, #tpu.memory_space<vmem>>, vector<16xf32>,
        %get3A_501 = arith.index_cast %add3A_470 : i32 to index
        %get3A_502 = arith.constant 48 : index
        %get3A_503 = tpu.vector_load %arg15[%get3A_501, %get3A_502] {strides = array<i32>} : memref<80x64xf32, #tpu.memory_space<vmem>>, vector<16xf32>,
        %sub3A_504 = arith.subf %get3A_500, %get3A_503 : vector<16xf32>
        %mul3A_505 = arith.mulf %sub3A_504, %sub3A_504 : vector<16xf32>
        %add3A_506 = arith.addf %add3A_466, %mul3A_505 : vector<16xf32>
        %mul3A_507 = arith.constant 4 : i32
        %mul3A_508 = arith.muli %scan3A_383, %mul3A_507 : i32
        %add3A_509 = arith.constant 3 : i32
        %add3A_510 = arith.addi %mul3A_508, %add3A_509 : i32
        %get3A_511 = arith.index_cast %add3A_510 : i32 to index
        %get3A_512 = arith.constant 0 : index
        %get3A_513 = tpu.vector_load %arg10[%get3A_511, %get3A_512] {strides = array<i32>} : memref<80x64xf32, #tpu.memory_space<vmem>>, vector<16xf32>,
        %get3A_514 = arith.index_cast %add3A_510 : i32 to index
        %get3A_515 = arith.constant 0 : index
        %get3A_516 = tpu.vector_load %arg15[%get3A_514, %get3A_515] {strides = array<i32>} : memref<80x64xf32, #tpu.memory_space<vmem>>, vector<16xf32>,
        %sub3A_517 = arith.subf %get3A_513, %get3A_516 : vector<16xf32>
        %mul3A_518 = arith.mulf %sub3A_517, %sub3A_517 : vector<16xf32>
        %add3A_519 = arith.addf %add3A_479, %mul3A_518 : vector<16xf32>
        %get3A_520 = arith.index_cast %add3A_510 : i32 to index
        %get3A_521 = arith.constant 16 : index
        %get3A_522 = tpu.vector_load %arg10[%get3A_520, %get3A_521] {strides = array<i32>} : memref<80x64xf32, #tpu.memory_space<vmem>>, vector<16xf32>,
        %get3A_523 = arith.index_cast %add3A_510 : i32 to index
        %get3A_524 = arith.constant 16 : index
        %get3A_525 = tpu.vector_load %arg15[%get3A_523, %get3A_524] {strides = array<i32>} : memref<80x64xf32, #tpu.memory_space<vmem>>, vector<16xf32>,
        %sub3A_526 = arith.subf %get3A_522, %get3A_525 : vector<16xf32>
        %mul3A_527 = arith.mulf %sub3A_526, %sub3A_526 : vector<16xf32>
        %add3A_528 = arith.addf %add3A_488, %mul3A_527 : vector<16xf32>
        %get3A_529 = arith.index_cast %add3A_510 : i32 to index
        %get3A_530 = arith.constant 32 : index
        %get3A_531 = tpu.vector_load %arg10[%get3A_529, %get3A_530] {strides = array<i32>} : memref<80x64xf32, #tpu.memory_space<vmem>>, vector<16xf32>,
        %get3A_532 = arith.index_cast %add3A_510 : i32 to index
        %get3A_533 = arith.constant 32 : index
        %get3A_534 = tpu.vector_load %arg15[%get3A_532, %get3A_533] {strides = array<i32>} : memref<80x64xf32, #tpu.memory_space<vmem>>, vector<16xf32>,
        %sub3A_535 = arith.subf %get3A_531, %get3A_534 : vector<16xf32>
        %mul3A_536 = arith.mulf %sub3A_535, %sub3A_535 : vector<16xf32>
        %add3A_537 = arith.addf %add3A_497, %mul3A_536 : vector<16xf32>
        %get3A_538 = arith.index_cast %add3A_510 : i32 to index
        %get3A_539 = arith.constant 48 : index
        %get3A_540 = tpu.vector_load %arg10[%get3A_538, %get3A_539] {strides = array<i32>} : memref<80x64xf32, #tpu.memory_space<vmem>>, vector<16xf32>,
        %get3A_541 = arith.index_cast %add3A_510 : i32 to index
        %get3A_542 = arith.constant 48 : index
        %get3A_543 = tpu.vector_load %arg15[%get3A_541, %get3A_542] {strides = array<i32>} : memref<80x64xf32, #tpu.memory_space<vmem>>, vector<16xf32>,
        %sub3A_544 = arith.subf %get3A_540, %get3A_543 : vector<16xf32>
        %mul3A_545 = arith.mulf %sub3A_544, %sub3A_544 : vector<16xf32>
        %add3A_546 = arith.addf %add3A_506, %mul3A_545 : vector<16xf32>
        scf.yield %add3A_519, %add3A_528, %add3A_537, %add3A_546 : vector<16xf32>, vector<16xf32>, vector<16xf32>, vector<16xf32>
      }
      %scan3A_136 = arith.constant 20 : i32
      %mul3A_137 = arith.constant 40 : i32
      %mul3A_138 = arith.muli %add3A, %mul3A_137 : i32
      %add3A_139 = arith.addi %mul3A_138, %add3A_112 : i32
      %lt3A = arith.constant 1250 : i32
      %lt3A_140 = arith.cmpi slt, %add3A_139, %lt3A : i32
      %jit3A = arith.constant 1.000000e+00 : f32
      %jit3A_141 = arith.constant 0.000000e+00 : f32
      %select_n3A = arith.select %lt3A_140, %jit3A, %jit3A_141 : f32
      %mul3A_142 = vector.broadcast %select_n3A : f32 to vector<16xf32>
      %mul3A_143 = arith.mulf %mul3A_142, %scan3A_135#0 : vector<16xf32>
      %add3A_144 = arith.addf %scan3A_105, %mul3A_143 : vector<16xf32>
      %mul3A_145 = vector.broadcast %select_n3A : f32 to vector<16xf32>
      %mul3A_146 = arith.mulf %mul3A_145, %scan3A_135#1 : vector<16xf32>
      %add3A_147 = arith.addf %scan3A_106, %mul3A_146 : vector<16xf32>
      %mul3A_148 = vector.broadcast %select_n3A : f32 to vector<16xf32>
      %mul3A_149 = arith.mulf %mul3A_148, %scan3A_135#2 : vector<16xf32>
      %add3A_150 = arith.addf %scan3A_107, %mul3A_149 : vector<16xf32>
      %mul3A_151 = vector.broadcast %select_n3A : f32 to vector<16xf32>
      %mul3A_152 = arith.mulf %mul3A_151, %scan3A_135#3 : vector<16xf32>
      %add3A_153 = arith.addf %scan3A_108, %mul3A_152 : vector<16xf32>
      %add3A_154 = arith.constant 5 : i32
      %add3A_155 = arith.addi %add3A_112, %add3A_154 : i32
      %lt3A_156 = arith.constant 40 : i32
      %lt3A_157 = arith.cmpi slt, %add3A_155, %lt3A_156 : i32
      %convert_element_type3A = arith.extui %lt3A_157 : i1 to i32
      %cond3A = arith.constant 0 : i32
      %cond3A_158 = arith.cmpi ne, %convert_element_type3A, %cond3A : i32
      scf.if %cond3A_158 {
        %add3A_383 = arith.constant 5 : i32
        %add3A_384 = arith.addi %add3A_112, %add3A_383 : i32
        %mul3A_385 = arith.constant 40 : i32
        %mul3A_386 = arith.muli %add3A, %mul3A_385 : i32
        %add3A_387 = arith.addi %mul3A_386, %add3A_384 : i32
        %min3A_388 = arith.constant 1249 : i32
        %min3A_389 = arith.minsi %add3A_387, %min3A_388 : i32
        %sub3A_390 = arith.subi %min3A_389, %min3A_3 : i32
        %mul3A_391 = arith.constant 80 : i32
        %mul3A_392 = arith.muli %sub3A_390, %mul3A_391 : i32
        %dma_start3A_393 = tpu.memref_slice %arg7[%mul3A_392] : memref<3200xi32, #tpu.memory_space<vmem>> -> memref<80xi32, #tpu.memory_space<vmem>>
        %dma_start3A_394 = arith.constant 0 : i32
        %dma_start3A_395 = arith.constant 0 : i32
        %dma_start3A_396 = tpu.memref_slice %arg2[%dma_start3A_394, %dma_start3A_395] : memref<100000x64xf32, #tpu.memory_space<hbm>> -> memref<100000x64xf32, #tpu.memory_space<hbm>>
        tpu.enqueue_indirect_dma source(%dma_start3A_396 : memref<100000x64xf32, #tpu.memory_space<hbm>>) target(%arg10 : memref<80x64xf32, #tpu.memory_space<vmem>>) offsets(%dma_start3A_393 : memref<80xi32, #tpu.memory_space<vmem>>) semaphore(%arg20 : memref<!tpu.dma_semaphore, #tpu.memory_space<semaphore_mem>>)
        %dma_start3A_397 = tpu.memref_slice %arg8[%mul3A_392] : memref<3200xi32, #tpu.memory_space<vmem>> -> memref<80xi32, #tpu.memory_space<vmem>>
        %dma_start3A_398 = arith.constant 0 : i32
        %dma_start3A_399 = arith.constant 0 : i32
        %dma_start3A_400 = tpu.memref_slice %arg3[%dma_start3A_398, %dma_start3A_399] : memref<100000x64xf32, #tpu.memory_space<hbm>> -> memref<100000x64xf32, #tpu.memory_space<hbm>>
        tpu.enqueue_indirect_dma source(%dma_start3A_400 : memref<100000x64xf32, #tpu.memory_space<hbm>>) target(%arg15 : memref<80x64xf32, #tpu.memory_space<vmem>>) offsets(%dma_start3A_397 : memref<80xi32, #tpu.memory_space<vmem>>) semaphore(%arg20 : memref<!tpu.dma_semaphore, #tpu.memory_space<semaphore_mem>>)
      } else {
      }
      %mul3A_159 = arith.constant 5 : i32
      %mul3A_160 = arith.muli %scan3A_104, %mul3A_159 : i32
      %add3A_161 = arith.constant 1 : i32
      %add3A_162 = arith.addi %mul3A_160, %add3A_161 : i32
      %mul3A_163 = arith.constant 40 : i32
      %mul3A_164 = arith.muli %add3A, %mul3A_163 : i32
      %add3A_165 = arith.constant 0 : i32
      %add3A_166 = arith.addi %mul3A_164, %add3A_165 : i32
      %min3A_167 = arith.constant 1249 : i32
      %min3A_168 = arith.minsi %add3A_166, %min3A_167 : i32
      %sub3A_169 = arith.subi %min3A_168, %min3A_3 : i32
      %mul3A_170 = arith.constant 80 : i32
      %mul3A_171 = arith.muli %sub3A_169, %mul3A_170 : i32
      %dma_wait3A_172 = tpu.memref_slice %arg7[%mul3A_171] : memref<3200xi32, #tpu.memory_space<vmem>> -> memref<80xi32, #tpu.memory_space<vmem>>
      %dma_wait3A_173 = arith.constant 0 : i32
      %dma_wait3A_174 = arith.constant 0 : i32
      %dma_wait3A_175 = tpu.memref_slice %arg2[%dma_wait3A_173, %dma_wait3A_174] : memref<100000x64xf32, #tpu.memory_space<hbm>> -> memref<100000x64xf32, #tpu.memory_space<hbm>>
      tpu.wait_indirect_dma semaphore(%arg21 : memref<!tpu.dma_semaphore, #tpu.memory_space<semaphore_mem>>) src(%dma_wait3A_175 : memref<100000x64xf32, #tpu.memory_space<hbm>>) dst(%arg11 : memref<80x64xf32, #tpu.memory_space<vmem>>)
      %dma_wait3A_176 = tpu.memref_slice %arg8[%mul3A_171] : memref<3200xi32, #tpu.memory_space<vmem>> -> memref<80xi32, #tpu.memory_space<vmem>>
      %dma_wait3A_177 = arith.constant 0 : i32
      %dma_wait3A_178 = arith.constant 0 : i32
      %dma_wait3A_179 = tpu.memref_slice %arg3[%dma_wait3A_177, %dma_wait3A_178] : memref<100000x64xf32, #tpu.memory_space<hbm>> -> memref<100000x64xf32, #tpu.memory_space<hbm>>
      tpu.wait_indirect_dma semaphore(%arg21 : memref<!tpu.dma_semaphore, #tpu.memory_space<semaphore_mem>>) src(%dma_wait3A_179 : memref<100000x64xf32, #tpu.memory_space<hbm>>) dst(%arg16 : memref<80x64xf32, #tpu.memory_space<vmem>>)
      %broadcast_in_dim3A_180 = arith.constant 0.000000e+00 : f32
      %broadcast_in_dim3A_181 = vector.broadcast %broadcast_in_dim3A_180 : f32 to vector<16xf32>
      %scan3A_182 = arith.constant 0 : i32
      %scan3A_183 = arith.constant 20 : i32
      %scan3A_184 = arith.addi %scan3A_182, %scan3A_183 : i32
      %scan3A_185 = arith.constant 1 : i32
      %scan3A_186:4 = scf.for %scan3A_383 = %scan3A_182 to %scan3A_184 step %scan3A_185 iter_args(%scan3A_384 = %broadcast_in_dim3A_181, %scan3A_385 = %broadcast_in_dim3A_181, %scan3A_386 = %broadcast_in_dim3A_181, %scan3A_387 = %broadcast_in_dim3A_181) -> (vector<16xf32>, vector<16xf32>, vector<16xf32>, vector<16xf32>)  : i32 {
        %mul3A_388 = arith.constant 4 : i32
        %mul3A_389 = arith.muli %scan3A_383, %mul3A_388 : i32
        %add3A_390 = arith.constant 0 : i32
        %add3A_391 = arith.addi %mul3A_389, %add3A_390 : i32
        %get3A = arith.index_cast %add3A_391 : i32 to index
        %get3A_392 = arith.constant 0 : index
        %get3A_393 = tpu.vector_load %arg11[%get3A, %get3A_392] {strides = array<i32>} : memref<80x64xf32, #tpu.memory_space<vmem>>, vector<16xf32>,
        %get3A_394 = arith.index_cast %add3A_391 : i32 to index
        %get3A_395 = arith.constant 0 : index
        %get3A_396 = tpu.vector_load %arg16[%get3A_394, %get3A_395] {strides = array<i32>} : memref<80x64xf32, #tpu.memory_space<vmem>>, vector<16xf32>,
        %sub3A_397 = arith.subf %get3A_393, %get3A_396 : vector<16xf32>
        %mul3A_398 = arith.mulf %sub3A_397, %sub3A_397 : vector<16xf32>
        %add3A_399 = arith.addf %scan3A_384, %mul3A_398 : vector<16xf32>
        %get3A_400 = arith.index_cast %add3A_391 : i32 to index
        %get3A_401 = arith.constant 16 : index
        %get3A_402 = tpu.vector_load %arg11[%get3A_400, %get3A_401] {strides = array<i32>} : memref<80x64xf32, #tpu.memory_space<vmem>>, vector<16xf32>,
        %get3A_403 = arith.index_cast %add3A_391 : i32 to index
        %get3A_404 = arith.constant 16 : index
        %get3A_405 = tpu.vector_load %arg16[%get3A_403, %get3A_404] {strides = array<i32>} : memref<80x64xf32, #tpu.memory_space<vmem>>, vector<16xf32>,
        %sub3A_406 = arith.subf %get3A_402, %get3A_405 : vector<16xf32>
        %mul3A_407 = arith.mulf %sub3A_406, %sub3A_406 : vector<16xf32>
        %add3A_408 = arith.addf %scan3A_385, %mul3A_407 : vector<16xf32>
        %get3A_409 = arith.index_cast %add3A_391 : i32 to index
        %get3A_410 = arith.constant 32 : index
        %get3A_411 = tpu.vector_load %arg11[%get3A_409, %get3A_410] {strides = array<i32>} : memref<80x64xf32, #tpu.memory_space<vmem>>, vector<16xf32>,
        %get3A_412 = arith.index_cast %add3A_391 : i32 to index
        %get3A_413 = arith.constant 32 : index
        %get3A_414 = tpu.vector_load %arg16[%get3A_412, %get3A_413] {strides = array<i32>} : memref<80x64xf32, #tpu.memory_space<vmem>>, vector<16xf32>,
        %sub3A_415 = arith.subf %get3A_411, %get3A_414 : vector<16xf32>
        %mul3A_416 = arith.mulf %sub3A_415, %sub3A_415 : vector<16xf32>
        %add3A_417 = arith.addf %scan3A_386, %mul3A_416 : vector<16xf32>
        %get3A_418 = arith.index_cast %add3A_391 : i32 to index
        %get3A_419 = arith.constant 48 : index
        %get3A_420 = tpu.vector_load %arg11[%get3A_418, %get3A_419] {strides = array<i32>} : memref<80x64xf32, #tpu.memory_space<vmem>>, vector<16xf32>,
        %get3A_421 = arith.index_cast %add3A_391 : i32 to index
        %get3A_422 = arith.constant 48 : index
        %get3A_423 = tpu.vector_load %arg16[%get3A_421, %get3A_422] {strides = array<i32>} : memref<80x64xf32, #tpu.memory_space<vmem>>, vector<16xf32>,
        %sub3A_424 = arith.subf %get3A_420, %get3A_423 : vector<16xf32>
        %mul3A_425 = arith.mulf %sub3A_424, %sub3A_424 : vector<16xf32>
        %add3A_426 = arith.addf %scan3A_387, %mul3A_425 : vector<16xf32>
        %mul3A_427 = arith.constant 4 : i32
        %mul3A_428 = arith.muli %scan3A_383, %mul3A_427 : i32
        %add3A_429 = arith.constant 1 : i32
        %add3A_430 = arith.addi %mul3A_428, %add3A_429 : i32
        %get3A_431 = arith.index_cast %add3A_430 : i32 to index
        %get3A_432 = arith.constant 0 : index
        %get3A_433 = tpu.vector_load %arg11[%get3A_431, %get3A_432] {strides = array<i32>} : memref<80x64xf32, #tpu.memory_space<vmem>>, vector<16xf32>,
        %get3A_434 = arith.index_cast %add3A_430 : i32 to index
        %get3A_435 = arith.constant 0 : index
        %get3A_436 = tpu.vector_load %arg16[%get3A_434, %get3A_435] {strides = array<i32>} : memref<80x64xf32, #tpu.memory_space<vmem>>, vector<16xf32>,
        %sub3A_437 = arith.subf %get3A_433, %get3A_436 : vector<16xf32>
        %mul3A_438 = arith.mulf %sub3A_437, %sub3A_437 : vector<16xf32>
        %add3A_439 = arith.addf %add3A_399, %mul3A_438 : vector<16xf32>
        %get3A_440 = arith.index_cast %add3A_430 : i32 to index
        %get3A_441 = arith.constant 16 : index
        %get3A_442 = tpu.vector_load %arg11[%get3A_440, %get3A_441] {strides = array<i32>} : memref<80x64xf32, #tpu.memory_space<vmem>>, vector<16xf32>,
        %get3A_443 = arith.index_cast %add3A_430 : i32 to index
        %get3A_444 = arith.constant 16 : index
        %get3A_445 = tpu.vector_load %arg16[%get3A_443, %get3A_444] {strides = array<i32>} : memref<80x64xf32, #tpu.memory_space<vmem>>, vector<16xf32>,
        %sub3A_446 = arith.subf %get3A_442, %get3A_445 : vector<16xf32>
        %mul3A_447 = arith.mulf %sub3A_446, %sub3A_446 : vector<16xf32>
        %add3A_448 = arith.addf %add3A_408, %mul3A_447 : vector<16xf32>
        %get3A_449 = arith.index_cast %add3A_430 : i32 to index
        %get3A_450 = arith.constant 32 : index
        %get3A_451 = tpu.vector_load %arg11[%get3A_449, %get3A_450] {strides = array<i32>} : memref<80x64xf32, #tpu.memory_space<vmem>>, vector<16xf32>,
        %get3A_452 = arith.index_cast %add3A_430 : i32 to index
        %get3A_453 = arith.constant 32 : index
        %get3A_454 = tpu.vector_load %arg16[%get3A_452, %get3A_453] {strides = array<i32>} : memref<80x64xf32, #tpu.memory_space<vmem>>, vector<16xf32>,
        %sub3A_455 = arith.subf %get3A_451, %get3A_454 : vector<16xf32>
        %mul3A_456 = arith.mulf %sub3A_455, %sub3A_455 : vector<16xf32>
        %add3A_457 = arith.addf %add3A_417, %mul3A_456 : vector<16xf32>
        %get3A_458 = arith.index_cast %add3A_430 : i32 to index
        %get3A_459 = arith.constant 48 : index
        %get3A_460 = tpu.vector_load %arg11[%get3A_458, %get3A_459] {strides = array<i32>} : memref<80x64xf32, #tpu.memory_space<vmem>>, vector<16xf32>,
        %get3A_461 = arith.index_cast %add3A_430 : i32 to index
        %get3A_462 = arith.constant 48 : index
        %get3A_463 = tpu.vector_load %arg16[%get3A_461, %get3A_462] {strides = array<i32>} : memref<80x64xf32, #tpu.memory_space<vmem>>, vector<16xf32>,
        %sub3A_464 = arith.subf %get3A_460, %get3A_463 : vector<16xf32>
        %mul3A_465 = arith.mulf %sub3A_464, %sub3A_464 : vector<16xf32>
        %add3A_466 = arith.addf %add3A_426, %mul3A_465 : vector<16xf32>
        %mul3A_467 = arith.constant 4 : i32
        %mul3A_468 = arith.muli %scan3A_383, %mul3A_467 : i32
        %add3A_469 = arith.constant 2 : i32
        %add3A_470 = arith.addi %mul3A_468, %add3A_469 : i32
        %get3A_471 = arith.index_cast %add3A_470 : i32 to index
        %get3A_472 = arith.constant 0 : index
        %get3A_473 = tpu.vector_load %arg11[%get3A_471, %get3A_472] {strides = array<i32>} : memref<80x64xf32, #tpu.memory_space<vmem>>, vector<16xf32>,
        %get3A_474 = arith.index_cast %add3A_470 : i32 to index
        %get3A_475 = arith.constant 0 : index
        %get3A_476 = tpu.vector_load %arg16[%get3A_474, %get3A_475] {strides = array<i32>} : memref<80x64xf32, #tpu.memory_space<vmem>>, vector<16xf32>,
        %sub3A_477 = arith.subf %get3A_473, %get3A_476 : vector<16xf32>
        %mul3A_478 = arith.mulf %sub3A_477, %sub3A_477 : vector<16xf32>
        %add3A_479 = arith.addf %add3A_439, %mul3A_478 : vector<16xf32>
        %get3A_480 = arith.index_cast %add3A_470 : i32 to index
        %get3A_481 = arith.constant 16 : index
        %get3A_482 = tpu.vector_load %arg11[%get3A_480, %get3A_481] {strides = array<i32>} : memref<80x64xf32, #tpu.memory_space<vmem>>, vector<16xf32>,
        %get3A_483 = arith.index_cast %add3A_470 : i32 to index
        %get3A_484 = arith.constant 16 : index
        %get3A_485 = tpu.vector_load %arg16[%get3A_483, %get3A_484] {strides = array<i32>} : memref<80x64xf32, #tpu.memory_space<vmem>>, vector<16xf32>,
        %sub3A_486 = arith.subf %get3A_482, %get3A_485 : vector<16xf32>
        %mul3A_487 = arith.mulf %sub3A_486, %sub3A_486 : vector<16xf32>
        %add3A_488 = arith.addf %add3A_448, %mul3A_487 : vector<16xf32>
        %get3A_489 = arith.index_cast %add3A_470 : i32 to index
        %get3A_490 = arith.constant 32 : index
        %get3A_491 = tpu.vector_load %arg11[%get3A_489, %get3A_490] {strides = array<i32>} : memref<80x64xf32, #tpu.memory_space<vmem>>, vector<16xf32>,
        %get3A_492 = arith.index_cast %add3A_470 : i32 to index
        %get3A_493 = arith.constant 32 : index
        %get3A_494 = tpu.vector_load %arg16[%get3A_492, %get3A_493] {strides = array<i32>} : memref<80x64xf32, #tpu.memory_space<vmem>>, vector<16xf32>,
        %sub3A_495 = arith.subf %get3A_491, %get3A_494 : vector<16xf32>
        %mul3A_496 = arith.mulf %sub3A_495, %sub3A_495 : vector<16xf32>
        %add3A_497 = arith.addf %add3A_457, %mul3A_496 : vector<16xf32>
        %get3A_498 = arith.index_cast %add3A_470 : i32 to index
        %get3A_499 = arith.constant 48 : index
        %get3A_500 = tpu.vector_load %arg11[%get3A_498, %get3A_499] {strides = array<i32>} : memref<80x64xf32, #tpu.memory_space<vmem>>, vector<16xf32>,
        %get3A_501 = arith.index_cast %add3A_470 : i32 to index
        %get3A_502 = arith.constant 48 : index
        %get3A_503 = tpu.vector_load %arg16[%get3A_501, %get3A_502] {strides = array<i32>} : memref<80x64xf32, #tpu.memory_space<vmem>>, vector<16xf32>,
        %sub3A_504 = arith.subf %get3A_500, %get3A_503 : vector<16xf32>
        %mul3A_505 = arith.mulf %sub3A_504, %sub3A_504 : vector<16xf32>
        %add3A_506 = arith.addf %add3A_466, %mul3A_505 : vector<16xf32>
        %mul3A_507 = arith.constant 4 : i32
        %mul3A_508 = arith.muli %scan3A_383, %mul3A_507 : i32
        %add3A_509 = arith.constant 3 : i32
        %add3A_510 = arith.addi %mul3A_508, %add3A_509 : i32
        %get3A_511 = arith.index_cast %add3A_510 : i32 to index
        %get3A_512 = arith.constant 0 : index
        %get3A_513 = tpu.vector_load %arg11[%get3A_511, %get3A_512] {strides = array<i32>} : memref<80x64xf32, #tpu.memory_space<vmem>>, vector<16xf32>,
        %get3A_514 = arith.index_cast %add3A_510 : i32 to index
        %get3A_515 = arith.constant 0 : index
        %get3A_516 = tpu.vector_load %arg16[%get3A_514, %get3A_515] {strides = array<i32>} : memref<80x64xf32, #tpu.memory_space<vmem>>, vector<16xf32>,
        %sub3A_517 = arith.subf %get3A_513, %get3A_516 : vector<16xf32>
        %mul3A_518 = arith.mulf %sub3A_517, %sub3A_517 : vector<16xf32>
        %add3A_519 = arith.addf %add3A_479, %mul3A_518 : vector<16xf32>
        %get3A_520 = arith.index_cast %add3A_510 : i32 to index
        %get3A_521 = arith.constant 16 : index
        %get3A_522 = tpu.vector_load %arg11[%get3A_520, %get3A_521] {strides = array<i32>} : memref<80x64xf32, #tpu.memory_space<vmem>>, vector<16xf32>,
        %get3A_523 = arith.index_cast %add3A_510 : i32 to index
        %get3A_524 = arith.constant 16 : index
        %get3A_525 = tpu.vector_load %arg16[%get3A_523, %get3A_524] {strides = array<i32>} : memref<80x64xf32, #tpu.memory_space<vmem>>, vector<16xf32>,
        %sub3A_526 = arith.subf %get3A_522, %get3A_525 : vector<16xf32>
        %mul3A_527 = arith.mulf %sub3A_526, %sub3A_526 : vector<16xf32>
        %add3A_528 = arith.addf %add3A_488, %mul3A_527 : vector<16xf32>
        %get3A_529 = arith.index_cast %add3A_510 : i32 to index
        %get3A_530 = arith.constant 32 : index
        %get3A_531 = tpu.vector_load %arg11[%get3A_529, %get3A_530] {strides = array<i32>} : memref<80x64xf32, #tpu.memory_space<vmem>>, vector<16xf32>,
        %get3A_532 = arith.index_cast %add3A_510 : i32 to index
        %get3A_533 = arith.constant 32 : index
        %get3A_534 = tpu.vector_load %arg16[%get3A_532, %get3A_533] {strides = array<i32>} : memref<80x64xf32, #tpu.memory_space<vmem>>, vector<16xf32>,
        %sub3A_535 = arith.subf %get3A_531, %get3A_534 : vector<16xf32>
        %mul3A_536 = arith.mulf %sub3A_535, %sub3A_535 : vector<16xf32>
        %add3A_537 = arith.addf %add3A_497, %mul3A_536 : vector<16xf32>
        %get3A_538 = arith.index_cast %add3A_510 : i32 to index
        %get3A_539 = arith.constant 48 : index
        %get3A_540 = tpu.vector_load %arg11[%get3A_538, %get3A_539] {strides = array<i32>} : memref<80x64xf32, #tpu.memory_space<vmem>>, vector<16xf32>,
        %get3A_541 = arith.index_cast %add3A_510 : i32 to index
        %get3A_542 = arith.constant 48 : index
        %get3A_543 = tpu.vector_load %arg16[%get3A_541, %get3A_542] {strides = array<i32>} : memref<80x64xf32, #tpu.memory_space<vmem>>, vector<16xf32>,
        %sub3A_544 = arith.subf %get3A_540, %get3A_543 : vector<16xf32>
        %mul3A_545 = arith.mulf %sub3A_544, %sub3A_544 : vector<16xf32>
        %add3A_546 = arith.addf %add3A_506, %mul3A_545 : vector<16xf32>
        scf.yield %add3A_519, %add3A_528, %add3A_537, %add3A_546 : vector<16xf32>, vector<16xf32>, vector<16xf32>, vector<16xf32>
      }
      %scan3A_187 = arith.constant 20 : i32
      %mul3A_188 = arith.constant 40 : i32
      %mul3A_189 = arith.muli %add3A, %mul3A_188 : i32
      %add3A_190 = arith.addi %mul3A_189, %add3A_162 : i32
      %lt3A_191 = arith.constant 1250 : i32
      %lt3A_192 = arith.cmpi slt, %add3A_190, %lt3A_191 : i32
      %jit3A_193 = arith.constant 1.000000e+00 : f32
      %jit3A_194 = arith.constant 0.000000e+00 : f32
      %select_n3A_195 = arith.select %lt3A_192, %jit3A_193, %jit3A_194 : f32
      %mul3A_196 = vector.broadcast %select_n3A_195 : f32 to vector<16xf32>
      %mul3A_197 = arith.mulf %mul3A_196, %scan3A_186#0 : vector<16xf32>
      %add3A_198 = arith.addf %add3A_144, %mul3A_197 : vector<16xf32>
      %mul3A_199 = vector.broadcast %select_n3A_195 : f32 to vector<16xf32>
      %mul3A_200 = arith.mulf %mul3A_199, %scan3A_186#1 : vector<16xf32>
      %add3A_201 = arith.addf %add3A_147, %mul3A_200 : vector<16xf32>
      %mul3A_202 = vector.broadcast %select_n3A_195 : f32 to vector<16xf32>
      %mul3A_203 = arith.mulf %mul3A_202, %scan3A_186#2 : vector<16xf32>
      %add3A_204 = arith.addf %add3A_150, %mul3A_203 : vector<16xf32>
      %mul3A_205 = vector.broadcast %select_n3A_195 : f32 to vector<16xf32>
      %mul3A_206 = arith.mulf %mul3A_205, %scan3A_186#3 : vector<16xf32>
      %add3A_207 = arith.addf %add3A_153, %mul3A_206 : vector<16xf32>
      %add3A_208 = arith.constant 5 : i32
      %add3A_209 = arith.addi %add3A_162, %add3A_208 : i32
      %lt3A_210 = arith.constant 40 : i32
      %lt3A_211 = arith.cmpi slt, %add3A_209, %lt3A_210 : i32
      %convert_element_type3A_212 = arith.extui %lt3A_211 : i1 to i32
      %cond3A_213 = arith.constant 0 : i32
      %cond3A_214 = arith.cmpi ne, %convert_element_type3A_212, %cond3A_213 : i32
      scf.if %cond3A_214 {
        %add3A_383 = arith.constant 5 : i32
        %add3A_384 = arith.addi %add3A_162, %add3A_383 : i32
        %mul3A_385 = arith.constant 40 : i32
        %mul3A_386 = arith.muli %add3A, %mul3A_385 : i32
        %add3A_387 = arith.addi %mul3A_386, %add3A_384 : i32
        %min3A_388 = arith.constant 1249 : i32
        %min3A_389 = arith.minsi %add3A_387, %min3A_388 : i32
        %sub3A_390 = arith.subi %min3A_389, %min3A_3 : i32
        %mul3A_391 = arith.constant 80 : i32
        %mul3A_392 = arith.muli %sub3A_390, %mul3A_391 : i32
        %dma_start3A_393 = tpu.memref_slice %arg7[%mul3A_392] : memref<3200xi32, #tpu.memory_space<vmem>> -> memref<80xi32, #tpu.memory_space<vmem>>
        %dma_start3A_394 = arith.constant 0 : i32
        %dma_start3A_395 = arith.constant 0 : i32
        %dma_start3A_396 = tpu.memref_slice %arg2[%dma_start3A_394, %dma_start3A_395] : memref<100000x64xf32, #tpu.memory_space<hbm>> -> memref<100000x64xf32, #tpu.memory_space<hbm>>
        tpu.enqueue_indirect_dma source(%dma_start3A_396 : memref<100000x64xf32, #tpu.memory_space<hbm>>) target(%arg11 : memref<80x64xf32, #tpu.memory_space<vmem>>) offsets(%dma_start3A_393 : memref<80xi32, #tpu.memory_space<vmem>>) semaphore(%arg21 : memref<!tpu.dma_semaphore, #tpu.memory_space<semaphore_mem>>)
        %dma_start3A_397 = tpu.memref_slice %arg8[%mul3A_392] : memref<3200xi32, #tpu.memory_space<vmem>> -> memref<80xi32, #tpu.memory_space<vmem>>
        %dma_start3A_398 = arith.constant 0 : i32
        %dma_start3A_399 = arith.constant 0 : i32
        %dma_start3A_400 = tpu.memref_slice %arg3[%dma_start3A_398, %dma_start3A_399] : memref<100000x64xf32, #tpu.memory_space<hbm>> -> memref<100000x64xf32, #tpu.memory_space<hbm>>
        tpu.enqueue_indirect_dma source(%dma_start3A_400 : memref<100000x64xf32, #tpu.memory_space<hbm>>) target(%arg16 : memref<80x64xf32, #tpu.memory_space<vmem>>) offsets(%dma_start3A_397 : memref<80xi32, #tpu.memory_space<vmem>>) semaphore(%arg21 : memref<!tpu.dma_semaphore, #tpu.memory_space<semaphore_mem>>)
      } else {
      }
      %mul3A_215 = arith.constant 5 : i32
      %mul3A_216 = arith.muli %scan3A_104, %mul3A_215 : i32
      %add3A_217 = arith.constant 2 : i32
      %add3A_218 = arith.addi %mul3A_216, %add3A_217 : i32
      %mul3A_219 = arith.constant 40 : i32
      %mul3A_220 = arith.muli %add3A, %mul3A_219 : i32
      %add3A_221 = arith.constant 0 : i32
      %add3A_222 = arith.addi %mul3A_220, %add3A_221 : i32
      %min3A_223 = arith.constant 1249 : i32
      %min3A_224 = arith.minsi %add3A_222, %min3A_223 : i32
      %sub3A_225 = arith.subi %min3A_224, %min3A_3 : i32
      %mul3A_226 = arith.constant 80 : i32
      %mul3A_227 = arith.muli %sub3A_225, %mul3A_226 : i32
      %dma_wait3A_228 = tpu.memref_slice %arg7[%mul3A_227] : memref<3200xi32, #tpu.memory_space<vmem>> -> memref<80xi32, #tpu.memory_space<vmem>>
      %dma_wait3A_229 = arith.constant 0 : i32
      %dma_wait3A_230 = arith.constant 0 : i32
      %dma_wait3A_231 = tpu.memref_slice %arg2[%dma_wait3A_229, %dma_wait3A_230] : memref<100000x64xf32, #tpu.memory_space<hbm>> -> memref<100000x64xf32, #tpu.memory_space<hbm>>
      tpu.wait_indirect_dma semaphore(%arg22 : memref<!tpu.dma_semaphore, #tpu.memory_space<semaphore_mem>>) src(%dma_wait3A_231 : memref<100000x64xf32, #tpu.memory_space<hbm>>) dst(%arg12 : memref<80x64xf32, #tpu.memory_space<vmem>>)
      %dma_wait3A_232 = tpu.memref_slice %arg8[%mul3A_227] : memref<3200xi32, #tpu.memory_space<vmem>> -> memref<80xi32, #tpu.memory_space<vmem>>
      %dma_wait3A_233 = arith.constant 0 : i32
      %dma_wait3A_234 = arith.constant 0 : i32
      %dma_wait3A_235 = tpu.memref_slice %arg3[%dma_wait3A_233, %dma_wait3A_234] : memref<100000x64xf32, #tpu.memory_space<hbm>> -> memref<100000x64xf32, #tpu.memory_space<hbm>>
      tpu.wait_indirect_dma semaphore(%arg22 : memref<!tpu.dma_semaphore, #tpu.memory_space<semaphore_mem>>) src(%dma_wait3A_235 : memref<100000x64xf32, #tpu.memory_space<hbm>>) dst(%arg17 : memref<80x64xf32, #tpu.memory_space<vmem>>)
      %broadcast_in_dim3A_236 = arith.constant 0.000000e+00 : f32
      %broadcast_in_dim3A_237 = vector.broadcast %broadcast_in_dim3A_236 : f32 to vector<16xf32>
      %scan3A_238 = arith.constant 0 : i32
      %scan3A_239 = arith.constant 20 : i32
      %scan3A_240 = arith.addi %scan3A_238, %scan3A_239 : i32
      %scan3A_241 = arith.constant 1 : i32
      %scan3A_242:4 = scf.for %scan3A_383 = %scan3A_238 to %scan3A_240 step %scan3A_241 iter_args(%scan3A_384 = %broadcast_in_dim3A_237, %scan3A_385 = %broadcast_in_dim3A_237, %scan3A_386 = %broadcast_in_dim3A_237, %scan3A_387 = %broadcast_in_dim3A_237) -> (vector<16xf32>, vector<16xf32>, vector<16xf32>, vector<16xf32>)  : i32 {
        %mul3A_388 = arith.constant 4 : i32
        %mul3A_389 = arith.muli %scan3A_383, %mul3A_388 : i32
        %add3A_390 = arith.constant 0 : i32
        %add3A_391 = arith.addi %mul3A_389, %add3A_390 : i32
        %get3A = arith.index_cast %add3A_391 : i32 to index
        %get3A_392 = arith.constant 0 : index
        %get3A_393 = tpu.vector_load %arg12[%get3A, %get3A_392] {strides = array<i32>} : memref<80x64xf32, #tpu.memory_space<vmem>>, vector<16xf32>,
        %get3A_394 = arith.index_cast %add3A_391 : i32 to index
        %get3A_395 = arith.constant 0 : index
        %get3A_396 = tpu.vector_load %arg17[%get3A_394, %get3A_395] {strides = array<i32>} : memref<80x64xf32, #tpu.memory_space<vmem>>, vector<16xf32>,
        %sub3A_397 = arith.subf %get3A_393, %get3A_396 : vector<16xf32>
        %mul3A_398 = arith.mulf %sub3A_397, %sub3A_397 : vector<16xf32>
        %add3A_399 = arith.addf %scan3A_384, %mul3A_398 : vector<16xf32>
        %get3A_400 = arith.index_cast %add3A_391 : i32 to index
        %get3A_401 = arith.constant 16 : index
        %get3A_402 = tpu.vector_load %arg12[%get3A_400, %get3A_401] {strides = array<i32>} : memref<80x64xf32, #tpu.memory_space<vmem>>, vector<16xf32>,
        %get3A_403 = arith.index_cast %add3A_391 : i32 to index
        %get3A_404 = arith.constant 16 : index
        %get3A_405 = tpu.vector_load %arg17[%get3A_403, %get3A_404] {strides = array<i32>} : memref<80x64xf32, #tpu.memory_space<vmem>>, vector<16xf32>,
        %sub3A_406 = arith.subf %get3A_402, %get3A_405 : vector<16xf32>
        %mul3A_407 = arith.mulf %sub3A_406, %sub3A_406 : vector<16xf32>
        %add3A_408 = arith.addf %scan3A_385, %mul3A_407 : vector<16xf32>
        %get3A_409 = arith.index_cast %add3A_391 : i32 to index
        %get3A_410 = arith.constant 32 : index
        %get3A_411 = tpu.vector_load %arg12[%get3A_409, %get3A_410] {strides = array<i32>} : memref<80x64xf32, #tpu.memory_space<vmem>>, vector<16xf32>,
        %get3A_412 = arith.index_cast %add3A_391 : i32 to index
        %get3A_413 = arith.constant 32 : index
        %get3A_414 = tpu.vector_load %arg17[%get3A_412, %get3A_413] {strides = array<i32>} : memref<80x64xf32, #tpu.memory_space<vmem>>, vector<16xf32>,
        %sub3A_415 = arith.subf %get3A_411, %get3A_414 : vector<16xf32>
        %mul3A_416 = arith.mulf %sub3A_415, %sub3A_415 : vector<16xf32>
        %add3A_417 = arith.addf %scan3A_386, %mul3A_416 : vector<16xf32>
        %get3A_418 = arith.index_cast %add3A_391 : i32 to index
        %get3A_419 = arith.constant 48 : index
        %get3A_420 = tpu.vector_load %arg12[%get3A_418, %get3A_419] {strides = array<i32>} : memref<80x64xf32, #tpu.memory_space<vmem>>, vector<16xf32>,
        %get3A_421 = arith.index_cast %add3A_391 : i32 to index
        %get3A_422 = arith.constant 48 : index
        %get3A_423 = tpu.vector_load %arg17[%get3A_421, %get3A_422] {strides = array<i32>} : memref<80x64xf32, #tpu.memory_space<vmem>>, vector<16xf32>,
        %sub3A_424 = arith.subf %get3A_420, %get3A_423 : vector<16xf32>
        %mul3A_425 = arith.mulf %sub3A_424, %sub3A_424 : vector<16xf32>
        %add3A_426 = arith.addf %scan3A_387, %mul3A_425 : vector<16xf32>
        %mul3A_427 = arith.constant 4 : i32
        %mul3A_428 = arith.muli %scan3A_383, %mul3A_427 : i32
        %add3A_429 = arith.constant 1 : i32
        %add3A_430 = arith.addi %mul3A_428, %add3A_429 : i32
        %get3A_431 = arith.index_cast %add3A_430 : i32 to index
        %get3A_432 = arith.constant 0 : index
        %get3A_433 = tpu.vector_load %arg12[%get3A_431, %get3A_432] {strides = array<i32>} : memref<80x64xf32, #tpu.memory_space<vmem>>, vector<16xf32>,
        %get3A_434 = arith.index_cast %add3A_430 : i32 to index
        %get3A_435 = arith.constant 0 : index
        %get3A_436 = tpu.vector_load %arg17[%get3A_434, %get3A_435] {strides = array<i32>} : memref<80x64xf32, #tpu.memory_space<vmem>>, vector<16xf32>,
        %sub3A_437 = arith.subf %get3A_433, %get3A_436 : vector<16xf32>
        %mul3A_438 = arith.mulf %sub3A_437, %sub3A_437 : vector<16xf32>
        %add3A_439 = arith.addf %add3A_399, %mul3A_438 : vector<16xf32>
        %get3A_440 = arith.index_cast %add3A_430 : i32 to index
        %get3A_441 = arith.constant 16 : index
        %get3A_442 = tpu.vector_load %arg12[%get3A_440, %get3A_441] {strides = array<i32>} : memref<80x64xf32, #tpu.memory_space<vmem>>, vector<16xf32>,
        %get3A_443 = arith.index_cast %add3A_430 : i32 to index
        %get3A_444 = arith.constant 16 : index
        %get3A_445 = tpu.vector_load %arg17[%get3A_443, %get3A_444] {strides = array<i32>} : memref<80x64xf32, #tpu.memory_space<vmem>>, vector<16xf32>,
        %sub3A_446 = arith.subf %get3A_442, %get3A_445 : vector<16xf32>
        %mul3A_447 = arith.mulf %sub3A_446, %sub3A_446 : vector<16xf32>
        %add3A_448 = arith.addf %add3A_408, %mul3A_447 : vector<16xf32>
        %get3A_449 = arith.index_cast %add3A_430 : i32 to index
        %get3A_450 = arith.constant 32 : index
        %get3A_451 = tpu.vector_load %arg12[%get3A_449, %get3A_450] {strides = array<i32>} : memref<80x64xf32, #tpu.memory_space<vmem>>, vector<16xf32>,
        %get3A_452 = arith.index_cast %add3A_430 : i32 to index
        %get3A_453 = arith.constant 32 : index
        %get3A_454 = tpu.vector_load %arg17[%get3A_452, %get3A_453] {strides = array<i32>} : memref<80x64xf32, #tpu.memory_space<vmem>>, vector<16xf32>,
        %sub3A_455 = arith.subf %get3A_451, %get3A_454 : vector<16xf32>
        %mul3A_456 = arith.mulf %sub3A_455, %sub3A_455 : vector<16xf32>
        %add3A_457 = arith.addf %add3A_417, %mul3A_456 : vector<16xf32>
        %get3A_458 = arith.index_cast %add3A_430 : i32 to index
        %get3A_459 = arith.constant 48 : index
        %get3A_460 = tpu.vector_load %arg12[%get3A_458, %get3A_459] {strides = array<i32>} : memref<80x64xf32, #tpu.memory_space<vmem>>, vector<16xf32>,
        %get3A_461 = arith.index_cast %add3A_430 : i32 to index
        %get3A_462 = arith.constant 48 : index
        %get3A_463 = tpu.vector_load %arg17[%get3A_461, %get3A_462] {strides = array<i32>} : memref<80x64xf32, #tpu.memory_space<vmem>>, vector<16xf32>,
        %sub3A_464 = arith.subf %get3A_460, %get3A_463 : vector<16xf32>
        %mul3A_465 = arith.mulf %sub3A_464, %sub3A_464 : vector<16xf32>
        %add3A_466 = arith.addf %add3A_426, %mul3A_465 : vector<16xf32>
        %mul3A_467 = arith.constant 4 : i32
        %mul3A_468 = arith.muli %scan3A_383, %mul3A_467 : i32
        %add3A_469 = arith.constant 2 : i32
        %add3A_470 = arith.addi %mul3A_468, %add3A_469 : i32
        %get3A_471 = arith.index_cast %add3A_470 : i32 to index
        %get3A_472 = arith.constant 0 : index
        %get3A_473 = tpu.vector_load %arg12[%get3A_471, %get3A_472] {strides = array<i32>} : memref<80x64xf32, #tpu.memory_space<vmem>>, vector<16xf32>,
        %get3A_474 = arith.index_cast %add3A_470 : i32 to index
        %get3A_475 = arith.constant 0 : index
        %get3A_476 = tpu.vector_load %arg17[%get3A_474, %get3A_475] {strides = array<i32>} : memref<80x64xf32, #tpu.memory_space<vmem>>, vector<16xf32>,
        %sub3A_477 = arith.subf %get3A_473, %get3A_476 : vector<16xf32>
        %mul3A_478 = arith.mulf %sub3A_477, %sub3A_477 : vector<16xf32>
        %add3A_479 = arith.addf %add3A_439, %mul3A_478 : vector<16xf32>
        %get3A_480 = arith.index_cast %add3A_470 : i32 to index
        %get3A_481 = arith.constant 16 : index
        %get3A_482 = tpu.vector_load %arg12[%get3A_480, %get3A_481] {strides = array<i32>} : memref<80x64xf32, #tpu.memory_space<vmem>>, vector<16xf32>,
        %get3A_483 = arith.index_cast %add3A_470 : i32 to index
        %get3A_484 = arith.constant 16 : index
        %get3A_485 = tpu.vector_load %arg17[%get3A_483, %get3A_484] {strides = array<i32>} : memref<80x64xf32, #tpu.memory_space<vmem>>, vector<16xf32>,
        %sub3A_486 = arith.subf %get3A_482, %get3A_485 : vector<16xf32>
        %mul3A_487 = arith.mulf %sub3A_486, %sub3A_486 : vector<16xf32>
        %add3A_488 = arith.addf %add3A_448, %mul3A_487 : vector<16xf32>
        %get3A_489 = arith.index_cast %add3A_470 : i32 to index
        %get3A_490 = arith.constant 32 : index
        %get3A_491 = tpu.vector_load %arg12[%get3A_489, %get3A_490] {strides = array<i32>} : memref<80x64xf32, #tpu.memory_space<vmem>>, vector<16xf32>,
        %get3A_492 = arith.index_cast %add3A_470 : i32 to index
        %get3A_493 = arith.constant 32 : index
        %get3A_494 = tpu.vector_load %arg17[%get3A_492, %get3A_493] {strides = array<i32>} : memref<80x64xf32, #tpu.memory_space<vmem>>, vector<16xf32>,
        %sub3A_495 = arith.subf %get3A_491, %get3A_494 : vector<16xf32>
        %mul3A_496 = arith.mulf %sub3A_495, %sub3A_495 : vector<16xf32>
        %add3A_497 = arith.addf %add3A_457, %mul3A_496 : vector<16xf32>
        %get3A_498 = arith.index_cast %add3A_470 : i32 to index
        %get3A_499 = arith.constant 48 : index
        %get3A_500 = tpu.vector_load %arg12[%get3A_498, %get3A_499] {strides = array<i32>} : memref<80x64xf32, #tpu.memory_space<vmem>>, vector<16xf32>,
        %get3A_501 = arith.index_cast %add3A_470 : i32 to index
        %get3A_502 = arith.constant 48 : index
        %get3A_503 = tpu.vector_load %arg17[%get3A_501, %get3A_502] {strides = array<i32>} : memref<80x64xf32, #tpu.memory_space<vmem>>, vector<16xf32>,
        %sub3A_504 = arith.subf %get3A_500, %get3A_503 : vector<16xf32>
        %mul3A_505 = arith.mulf %sub3A_504, %sub3A_504 : vector<16xf32>
        %add3A_506 = arith.addf %add3A_466, %mul3A_505 : vector<16xf32>
        %mul3A_507 = arith.constant 4 : i32
        %mul3A_508 = arith.muli %scan3A_383, %mul3A_507 : i32
        %add3A_509 = arith.constant 3 : i32
        %add3A_510 = arith.addi %mul3A_508, %add3A_509 : i32
        %get3A_511 = arith.index_cast %add3A_510 : i32 to index
        %get3A_512 = arith.constant 0 : index
        %get3A_513 = tpu.vector_load %arg12[%get3A_511, %get3A_512] {strides = array<i32>} : memref<80x64xf32, #tpu.memory_space<vmem>>, vector<16xf32>,
        %get3A_514 = arith.index_cast %add3A_510 : i32 to index
        %get3A_515 = arith.constant 0 : index
        %get3A_516 = tpu.vector_load %arg17[%get3A_514, %get3A_515] {strides = array<i32>} : memref<80x64xf32, #tpu.memory_space<vmem>>, vector<16xf32>,
        %sub3A_517 = arith.subf %get3A_513, %get3A_516 : vector<16xf32>
        %mul3A_518 = arith.mulf %sub3A_517, %sub3A_517 : vector<16xf32>
        %add3A_519 = arith.addf %add3A_479, %mul3A_518 : vector<16xf32>
        %get3A_520 = arith.index_cast %add3A_510 : i32 to index
        %get3A_521 = arith.constant 16 : index
        %get3A_522 = tpu.vector_load %arg12[%get3A_520, %get3A_521] {strides = array<i32>} : memref<80x64xf32, #tpu.memory_space<vmem>>, vector<16xf32>,
        %get3A_523 = arith.index_cast %add3A_510 : i32 to index
        %get3A_524 = arith.constant 16 : index
        %get3A_525 = tpu.vector_load %arg17[%get3A_523, %get3A_524] {strides = array<i32>} : memref<80x64xf32, #tpu.memory_space<vmem>>, vector<16xf32>,
        %sub3A_526 = arith.subf %get3A_522, %get3A_525 : vector<16xf32>
        %mul3A_527 = arith.mulf %sub3A_526, %sub3A_526 : vector<16xf32>
        %add3A_528 = arith.addf %add3A_488, %mul3A_527 : vector<16xf32>
        %get3A_529 = arith.index_cast %add3A_510 : i32 to index
        %get3A_530 = arith.constant 32 : index
        %get3A_531 = tpu.vector_load %arg12[%get3A_529, %get3A_530] {strides = array<i32>} : memref<80x64xf32, #tpu.memory_space<vmem>>, vector<16xf32>,
        %get3A_532 = arith.index_cast %add3A_510 : i32 to index
        %get3A_533 = arith.constant 32 : index
        %get3A_534 = tpu.vector_load %arg17[%get3A_532, %get3A_533] {strides = array<i32>} : memref<80x64xf32, #tpu.memory_space<vmem>>, vector<16xf32>,
        %sub3A_535 = arith.subf %get3A_531, %get3A_534 : vector<16xf32>
        %mul3A_536 = arith.mulf %sub3A_535, %sub3A_535 : vector<16xf32>
        %add3A_537 = arith.addf %add3A_497, %mul3A_536 : vector<16xf32>
        %get3A_538 = arith.index_cast %add3A_510 : i32 to index
        %get3A_539 = arith.constant 48 : index
        %get3A_540 = tpu.vector_load %arg12[%get3A_538, %get3A_539] {strides = array<i32>} : memref<80x64xf32, #tpu.memory_space<vmem>>, vector<16xf32>,
        %get3A_541 = arith.index_cast %add3A_510 : i32 to index
        %get3A_542 = arith.constant 48 : index
        %get3A_543 = tpu.vector_load %arg17[%get3A_541, %get3A_542] {strides = array<i32>} : memref<80x64xf32, #tpu.memory_space<vmem>>, vector<16xf32>,
        %sub3A_544 = arith.subf %get3A_540, %get3A_543 : vector<16xf32>
        %mul3A_545 = arith.mulf %sub3A_544, %sub3A_544 : vector<16xf32>
        %add3A_546 = arith.addf %add3A_506, %mul3A_545 : vector<16xf32>
        scf.yield %add3A_519, %add3A_528, %add3A_537, %add3A_546 : vector<16xf32>, vector<16xf32>, vector<16xf32>, vector<16xf32>
      }
      %scan3A_243 = arith.constant 20 : i32
      %mul3A_244 = arith.constant 40 : i32
      %mul3A_245 = arith.muli %add3A, %mul3A_244 : i32
      %add3A_246 = arith.addi %mul3A_245, %add3A_218 : i32
      %lt3A_247 = arith.constant 1250 : i32
      %lt3A_248 = arith.cmpi slt, %add3A_246, %lt3A_247 : i32
      %jit3A_249 = arith.constant 1.000000e+00 : f32
      %jit3A_250 = arith.constant 0.000000e+00 : f32
      %select_n3A_251 = arith.select %lt3A_248, %jit3A_249, %jit3A_250 : f32
      %mul3A_252 = vector.broadcast %select_n3A_251 : f32 to vector<16xf32>
      %mul3A_253 = arith.mulf %mul3A_252, %scan3A_242#0 : vector<16xf32>
      %add3A_254 = arith.addf %add3A_198, %mul3A_253 : vector<16xf32>
      %mul3A_255 = vector.broadcast %select_n3A_251 : f32 to vector<16xf32>
      %mul3A_256 = arith.mulf %mul3A_255, %scan3A_242#1 : vector<16xf32>
      %add3A_257 = arith.addf %add3A_201, %mul3A_256 : vector<16xf32>
      %mul3A_258 = vector.broadcast %select_n3A_251 : f32 to vector<16xf32>
      %mul3A_259 = arith.mulf %mul3A_258, %scan3A_242#2 : vector<16xf32>
      %add3A_260 = arith.addf %add3A_204, %mul3A_259 : vector<16xf32>
      %mul3A_261 = vector.broadcast %select_n3A_251 : f32 to vector<16xf32>
      %mul3A_262 = arith.mulf %mul3A_261, %scan3A_242#3 : vector<16xf32>
      %add3A_263 = arith.addf %add3A_207, %mul3A_262 : vector<16xf32>
      %add3A_264 = arith.constant 5 : i32
      %add3A_265 = arith.addi %add3A_218, %add3A_264 : i32
      %lt3A_266 = arith.constant 40 : i32
      %lt3A_267 = arith.cmpi slt, %add3A_265, %lt3A_266 : i32
      %convert_element_type3A_268 = arith.extui %lt3A_267 : i1 to i32
      %cond3A_269 = arith.constant 0 : i32
      %cond3A_270 = arith.cmpi ne, %convert_element_type3A_268, %cond3A_269 : i32
      scf.if %cond3A_270 {
        %add3A_383 = arith.constant 5 : i32
        %add3A_384 = arith.addi %add3A_218, %add3A_383 : i32
        %mul3A_385 = arith.constant 40 : i32
        %mul3A_386 = arith.muli %add3A, %mul3A_385 : i32
        %add3A_387 = arith.addi %mul3A_386, %add3A_384 : i32
        %min3A_388 = arith.constant 1249 : i32
        %min3A_389 = arith.minsi %add3A_387, %min3A_388 : i32
        %sub3A_390 = arith.subi %min3A_389, %min3A_3 : i32
        %mul3A_391 = arith.constant 80 : i32
        %mul3A_392 = arith.muli %sub3A_390, %mul3A_391 : i32
        %dma_start3A_393 = tpu.memref_slice %arg7[%mul3A_392] : memref<3200xi32, #tpu.memory_space<vmem>> -> memref<80xi32, #tpu.memory_space<vmem>>
        %dma_start3A_394 = arith.constant 0 : i32
        %dma_start3A_395 = arith.constant 0 : i32
        %dma_start3A_396 = tpu.memref_slice %arg2[%dma_start3A_394, %dma_start3A_395] : memref<100000x64xf32, #tpu.memory_space<hbm>> -> memref<100000x64xf32, #tpu.memory_space<hbm>>
        tpu.enqueue_indirect_dma source(%dma_start3A_396 : memref<100000x64xf32, #tpu.memory_space<hbm>>) target(%arg12 : memref<80x64xf32, #tpu.memory_space<vmem>>) offsets(%dma_start3A_393 : memref<80xi32, #tpu.memory_space<vmem>>) semaphore(%arg22 : memref<!tpu.dma_semaphore, #tpu.memory_space<semaphore_mem>>)
        %dma_start3A_397 = tpu.memref_slice %arg8[%mul3A_392] : memref<3200xi32, #tpu.memory_space<vmem>> -> memref<80xi32, #tpu.memory_space<vmem>>
        %dma_start3A_398 = arith.constant 0 : i32
        %dma_start3A_399 = arith.constant 0 : i32
        %dma_start3A_400 = tpu.memref_slice %arg3[%dma_start3A_398, %dma_start3A_399] : memref<100000x64xf32, #tpu.memory_space<hbm>> -> memref<100000x64xf32, #tpu.memory_space<hbm>>
        tpu.enqueue_indirect_dma source(%dma_start3A_400 : memref<100000x64xf32, #tpu.memory_space<hbm>>) target(%arg17 : memref<80x64xf32, #tpu.memory_space<vmem>>) offsets(%dma_start3A_397 : memref<80xi32, #tpu.memory_space<vmem>>) semaphore(%arg22 : memref<!tpu.dma_semaphore, #tpu.memory_space<semaphore_mem>>)
      } else {
      }
      %mul3A_271 = arith.constant 5 : i32
      %mul3A_272 = arith.muli %scan3A_104, %mul3A_271 : i32
      %add3A_273 = arith.constant 3 : i32
      %add3A_274 = arith.addi %mul3A_272, %add3A_273 : i32
      %mul3A_275 = arith.constant 40 : i32
      %mul3A_276 = arith.muli %add3A, %mul3A_275 : i32
      %add3A_277 = arith.constant 0 : i32
      %add3A_278 = arith.addi %mul3A_276, %add3A_277 : i32
      %min3A_279 = arith.constant 1249 : i32
      %min3A_280 = arith.minsi %add3A_278, %min3A_279 : i32
      %sub3A_281 = arith.subi %min3A_280, %min3A_3 : i32
      %mul3A_282 = arith.constant 80 : i32
      %mul3A_283 = arith.muli %sub3A_281, %mul3A_282 : i32
      %dma_wait3A_284 = tpu.memref_slice %arg7[%mul3A_283] : memref<3200xi32, #tpu.memory_space<vmem>> -> memref<80xi32, #tpu.memory_space<vmem>>
      %dma_wait3A_285 = arith.constant 0 : i32
      %dma_wait3A_286 = arith.constant 0 : i32
      %dma_wait3A_287 = tpu.memref_slice %arg2[%dma_wait3A_285, %dma_wait3A_286] : memref<100000x64xf32, #tpu.memory_space<hbm>> -> memref<100000x64xf32, #tpu.memory_space<hbm>>
      tpu.wait_indirect_dma semaphore(%arg23 : memref<!tpu.dma_semaphore, #tpu.memory_space<semaphore_mem>>) src(%dma_wait3A_287 : memref<100000x64xf32, #tpu.memory_space<hbm>>) dst(%arg13 : memref<80x64xf32, #tpu.memory_space<vmem>>)
      %dma_wait3A_288 = tpu.memref_slice %arg8[%mul3A_283] : memref<3200xi32, #tpu.memory_space<vmem>> -> memref<80xi32, #tpu.memory_space<vmem>>
      %dma_wait3A_289 = arith.constant 0 : i32
      %dma_wait3A_290 = arith.constant 0 : i32
      %dma_wait3A_291 = tpu.memref_slice %arg3[%dma_wait3A_289, %dma_wait3A_290] : memref<100000x64xf32, #tpu.memory_space<hbm>> -> memref<100000x64xf32, #tpu.memory_space<hbm>>
      tpu.wait_indirect_dma semaphore(%arg23 : memref<!tpu.dma_semaphore, #tpu.memory_space<semaphore_mem>>) src(%dma_wait3A_291 : memref<100000x64xf32, #tpu.memory_space<hbm>>) dst(%arg18 : memref<80x64xf32, #tpu.memory_space<vmem>>)
      %broadcast_in_dim3A_292 = arith.constant 0.000000e+00 : f32
      %broadcast_in_dim3A_293 = vector.broadcast %broadcast_in_dim3A_292 : f32 to vector<16xf32>
      %scan3A_294 = arith.constant 0 : i32
      %scan3A_295 = arith.constant 20 : i32
      %scan3A_296 = arith.addi %scan3A_294, %scan3A_295 : i32
      %scan3A_297 = arith.constant 1 : i32
      %scan3A_298:4 = scf.for %scan3A_383 = %scan3A_294 to %scan3A_296 step %scan3A_297 iter_args(%scan3A_384 = %broadcast_in_dim3A_293, %scan3A_385 = %broadcast_in_dim3A_293, %scan3A_386 = %broadcast_in_dim3A_293, %scan3A_387 = %broadcast_in_dim3A_293) -> (vector<16xf32>, vector<16xf32>, vector<16xf32>, vector<16xf32>)  : i32 {
        %mul3A_388 = arith.constant 4 : i32
        %mul3A_389 = arith.muli %scan3A_383, %mul3A_388 : i32
        %add3A_390 = arith.constant 0 : i32
        %add3A_391 = arith.addi %mul3A_389, %add3A_390 : i32
        %get3A = arith.index_cast %add3A_391 : i32 to index
        %get3A_392 = arith.constant 0 : index
        %get3A_393 = tpu.vector_load %arg13[%get3A, %get3A_392] {strides = array<i32>} : memref<80x64xf32, #tpu.memory_space<vmem>>, vector<16xf32>,
        %get3A_394 = arith.index_cast %add3A_391 : i32 to index
        %get3A_395 = arith.constant 0 : index
        %get3A_396 = tpu.vector_load %arg18[%get3A_394, %get3A_395] {strides = array<i32>} : memref<80x64xf32, #tpu.memory_space<vmem>>, vector<16xf32>,
        %sub3A_397 = arith.subf %get3A_393, %get3A_396 : vector<16xf32>
        %mul3A_398 = arith.mulf %sub3A_397, %sub3A_397 : vector<16xf32>
        %add3A_399 = arith.addf %scan3A_384, %mul3A_398 : vector<16xf32>
        %get3A_400 = arith.index_cast %add3A_391 : i32 to index
        %get3A_401 = arith.constant 16 : index
        %get3A_402 = tpu.vector_load %arg13[%get3A_400, %get3A_401] {strides = array<i32>} : memref<80x64xf32, #tpu.memory_space<vmem>>, vector<16xf32>,
        %get3A_403 = arith.index_cast %add3A_391 : i32 to index
        %get3A_404 = arith.constant 16 : index
        %get3A_405 = tpu.vector_load %arg18[%get3A_403, %get3A_404] {strides = array<i32>} : memref<80x64xf32, #tpu.memory_space<vmem>>, vector<16xf32>,
        %sub3A_406 = arith.subf %get3A_402, %get3A_405 : vector<16xf32>
        %mul3A_407 = arith.mulf %sub3A_406, %sub3A_406 : vector<16xf32>
        %add3A_408 = arith.addf %scan3A_385, %mul3A_407 : vector<16xf32>
        %get3A_409 = arith.index_cast %add3A_391 : i32 to index
        %get3A_410 = arith.constant 32 : index
        %get3A_411 = tpu.vector_load %arg13[%get3A_409, %get3A_410] {strides = array<i32>} : memref<80x64xf32, #tpu.memory_space<vmem>>, vector<16xf32>,
        %get3A_412 = arith.index_cast %add3A_391 : i32 to index
        %get3A_413 = arith.constant 32 : index
        %get3A_414 = tpu.vector_load %arg18[%get3A_412, %get3A_413] {strides = array<i32>} : memref<80x64xf32, #tpu.memory_space<vmem>>, vector<16xf32>,
        %sub3A_415 = arith.subf %get3A_411, %get3A_414 : vector<16xf32>
        %mul3A_416 = arith.mulf %sub3A_415, %sub3A_415 : vector<16xf32>
        %add3A_417 = arith.addf %scan3A_386, %mul3A_416 : vector<16xf32>
        %get3A_418 = arith.index_cast %add3A_391 : i32 to index
        %get3A_419 = arith.constant 48 : index
        %get3A_420 = tpu.vector_load %arg13[%get3A_418, %get3A_419] {strides = array<i32>} : memref<80x64xf32, #tpu.memory_space<vmem>>, vector<16xf32>,
        %get3A_421 = arith.index_cast %add3A_391 : i32 to index
        %get3A_422 = arith.constant 48 : index
        %get3A_423 = tpu.vector_load %arg18[%get3A_421, %get3A_422] {strides = array<i32>} : memref<80x64xf32, #tpu.memory_space<vmem>>, vector<16xf32>,
        %sub3A_424 = arith.subf %get3A_420, %get3A_423 : vector<16xf32>
        %mul3A_425 = arith.mulf %sub3A_424, %sub3A_424 : vector<16xf32>
        %add3A_426 = arith.addf %scan3A_387, %mul3A_425 : vector<16xf32>
        %mul3A_427 = arith.constant 4 : i32
        %mul3A_428 = arith.muli %scan3A_383, %mul3A_427 : i32
        %add3A_429 = arith.constant 1 : i32
        %add3A_430 = arith.addi %mul3A_428, %add3A_429 : i32
        %get3A_431 = arith.index_cast %add3A_430 : i32 to index
        %get3A_432 = arith.constant 0 : index
        %get3A_433 = tpu.vector_load %arg13[%get3A_431, %get3A_432] {strides = array<i32>} : memref<80x64xf32, #tpu.memory_space<vmem>>, vector<16xf32>,
        %get3A_434 = arith.index_cast %add3A_430 : i32 to index
        %get3A_435 = arith.constant 0 : index
        %get3A_436 = tpu.vector_load %arg18[%get3A_434, %get3A_435] {strides = array<i32>} : memref<80x64xf32, #tpu.memory_space<vmem>>, vector<16xf32>,
        %sub3A_437 = arith.subf %get3A_433, %get3A_436 : vector<16xf32>
        %mul3A_438 = arith.mulf %sub3A_437, %sub3A_437 : vector<16xf32>
        %add3A_439 = arith.addf %add3A_399, %mul3A_438 : vector<16xf32>
        %get3A_440 = arith.index_cast %add3A_430 : i32 to index
        %get3A_441 = arith.constant 16 : index
        %get3A_442 = tpu.vector_load %arg13[%get3A_440, %get3A_441] {strides = array<i32>} : memref<80x64xf32, #tpu.memory_space<vmem>>, vector<16xf32>,
        %get3A_443 = arith.index_cast %add3A_430 : i32 to index
        %get3A_444 = arith.constant 16 : index
        %get3A_445 = tpu.vector_load %arg18[%get3A_443, %get3A_444] {strides = array<i32>} : memref<80x64xf32, #tpu.memory_space<vmem>>, vector<16xf32>,
        %sub3A_446 = arith.subf %get3A_442, %get3A_445 : vector<16xf32>
        %mul3A_447 = arith.mulf %sub3A_446, %sub3A_446 : vector<16xf32>
        %add3A_448 = arith.addf %add3A_408, %mul3A_447 : vector<16xf32>
        %get3A_449 = arith.index_cast %add3A_430 : i32 to index
        %get3A_450 = arith.constant 32 : index
        %get3A_451 = tpu.vector_load %arg13[%get3A_449, %get3A_450] {strides = array<i32>} : memref<80x64xf32, #tpu.memory_space<vmem>>, vector<16xf32>,
        %get3A_452 = arith.index_cast %add3A_430 : i32 to index
        %get3A_453 = arith.constant 32 : index
        %get3A_454 = tpu.vector_load %arg18[%get3A_452, %get3A_453] {strides = array<i32>} : memref<80x64xf32, #tpu.memory_space<vmem>>, vector<16xf32>,
        %sub3A_455 = arith.subf %get3A_451, %get3A_454 : vector<16xf32>
        %mul3A_456 = arith.mulf %sub3A_455, %sub3A_455 : vector<16xf32>
        %add3A_457 = arith.addf %add3A_417, %mul3A_456 : vector<16xf32>
        %get3A_458 = arith.index_cast %add3A_430 : i32 to index
        %get3A_459 = arith.constant 48 : index
        %get3A_460 = tpu.vector_load %arg13[%get3A_458, %get3A_459] {strides = array<i32>} : memref<80x64xf32, #tpu.memory_space<vmem>>, vector<16xf32>,
        %get3A_461 = arith.index_cast %add3A_430 : i32 to index
        %get3A_462 = arith.constant 48 : index
        %get3A_463 = tpu.vector_load %arg18[%get3A_461, %get3A_462] {strides = array<i32>} : memref<80x64xf32, #tpu.memory_space<vmem>>, vector<16xf32>,
        %sub3A_464 = arith.subf %get3A_460, %get3A_463 : vector<16xf32>
        %mul3A_465 = arith.mulf %sub3A_464, %sub3A_464 : vector<16xf32>
        %add3A_466 = arith.addf %add3A_426, %mul3A_465 : vector<16xf32>
        %mul3A_467 = arith.constant 4 : i32
        %mul3A_468 = arith.muli %scan3A_383, %mul3A_467 : i32
        %add3A_469 = arith.constant 2 : i32
        %add3A_470 = arith.addi %mul3A_468, %add3A_469 : i32
        %get3A_471 = arith.index_cast %add3A_470 : i32 to index
        %get3A_472 = arith.constant 0 : index
        %get3A_473 = tpu.vector_load %arg13[%get3A_471, %get3A_472] {strides = array<i32>} : memref<80x64xf32, #tpu.memory_space<vmem>>, vector<16xf32>,
        %get3A_474 = arith.index_cast %add3A_470 : i32 to index
        %get3A_475 = arith.constant 0 : index
        %get3A_476 = tpu.vector_load %arg18[%get3A_474, %get3A_475] {strides = array<i32>} : memref<80x64xf32, #tpu.memory_space<vmem>>, vector<16xf32>,
        %sub3A_477 = arith.subf %get3A_473, %get3A_476 : vector<16xf32>
        %mul3A_478 = arith.mulf %sub3A_477, %sub3A_477 : vector<16xf32>
        %add3A_479 = arith.addf %add3A_439, %mul3A_478 : vector<16xf32>
        %get3A_480 = arith.index_cast %add3A_470 : i32 to index
        %get3A_481 = arith.constant 16 : index
        %get3A_482 = tpu.vector_load %arg13[%get3A_480, %get3A_481] {strides = array<i32>} : memref<80x64xf32, #tpu.memory_space<vmem>>, vector<16xf32>,
        %get3A_483 = arith.index_cast %add3A_470 : i32 to index
        %get3A_484 = arith.constant 16 : index
        %get3A_485 = tpu.vector_load %arg18[%get3A_483, %get3A_484] {strides = array<i32>} : memref<80x64xf32, #tpu.memory_space<vmem>>, vector<16xf32>,
        %sub3A_486 = arith.subf %get3A_482, %get3A_485 : vector<16xf32>
        %mul3A_487 = arith.mulf %sub3A_486, %sub3A_486 : vector<16xf32>
        %add3A_488 = arith.addf %add3A_448, %mul3A_487 : vector<16xf32>
        %get3A_489 = arith.index_cast %add3A_470 : i32 to index
        %get3A_490 = arith.constant 32 : index
        %get3A_491 = tpu.vector_load %arg13[%get3A_489, %get3A_490] {strides = array<i32>} : memref<80x64xf32, #tpu.memory_space<vmem>>, vector<16xf32>,
        %get3A_492 = arith.index_cast %add3A_470 : i32 to index
        %get3A_493 = arith.constant 32 : index
        %get3A_494 = tpu.vector_load %arg18[%get3A_492, %get3A_493] {strides = array<i32>} : memref<80x64xf32, #tpu.memory_space<vmem>>, vector<16xf32>,
        %sub3A_495 = arith.subf %get3A_491, %get3A_494 : vector<16xf32>
        %mul3A_496 = arith.mulf %sub3A_495, %sub3A_495 : vector<16xf32>
        %add3A_497 = arith.addf %add3A_457, %mul3A_496 : vector<16xf32>
        %get3A_498 = arith.index_cast %add3A_470 : i32 to index
        %get3A_499 = arith.constant 48 : index
        %get3A_500 = tpu.vector_load %arg13[%get3A_498, %get3A_499] {strides = array<i32>} : memref<80x64xf32, #tpu.memory_space<vmem>>, vector<16xf32>,
        %get3A_501 = arith.index_cast %add3A_470 : i32 to index
        %get3A_502 = arith.constant 48 : index
        %get3A_503 = tpu.vector_load %arg18[%get3A_501, %get3A_502] {strides = array<i32>} : memref<80x64xf32, #tpu.memory_space<vmem>>, vector<16xf32>,
        %sub3A_504 = arith.subf %get3A_500, %get3A_503 : vector<16xf32>
        %mul3A_505 = arith.mulf %sub3A_504, %sub3A_504 : vector<16xf32>
        %add3A_506 = arith.addf %add3A_466, %mul3A_505 : vector<16xf32>
        %mul3A_507 = arith.constant 4 : i32
        %mul3A_508 = arith.muli %scan3A_383, %mul3A_507 : i32
        %add3A_509 = arith.constant 3 : i32
        %add3A_510 = arith.addi %mul3A_508, %add3A_509 : i32
        %get3A_511 = arith.index_cast %add3A_510 : i32 to index
        %get3A_512 = arith.constant 0 : index
        %get3A_513 = tpu.vector_load %arg13[%get3A_511, %get3A_512] {strides = array<i32>} : memref<80x64xf32, #tpu.memory_space<vmem>>, vector<16xf32>,
        %get3A_514 = arith.index_cast %add3A_510 : i32 to index
        %get3A_515 = arith.constant 0 : index
        %get3A_516 = tpu.vector_load %arg18[%get3A_514, %get3A_515] {strides = array<i32>} : memref<80x64xf32, #tpu.memory_space<vmem>>, vector<16xf32>,
        %sub3A_517 = arith.subf %get3A_513, %get3A_516 : vector<16xf32>
        %mul3A_518 = arith.mulf %sub3A_517, %sub3A_517 : vector<16xf32>
        %add3A_519 = arith.addf %add3A_479, %mul3A_518 : vector<16xf32>
        %get3A_520 = arith.index_cast %add3A_510 : i32 to index
        %get3A_521 = arith.constant 16 : index
        %get3A_522 = tpu.vector_load %arg13[%get3A_520, %get3A_521] {strides = array<i32>} : memref<80x64xf32, #tpu.memory_space<vmem>>, vector<16xf32>,
        %get3A_523 = arith.index_cast %add3A_510 : i32 to index
        %get3A_524 = arith.constant 16 : index
        %get3A_525 = tpu.vector_load %arg18[%get3A_523, %get3A_524] {strides = array<i32>} : memref<80x64xf32, #tpu.memory_space<vmem>>, vector<16xf32>,
        %sub3A_526 = arith.subf %get3A_522, %get3A_525 : vector<16xf32>
        %mul3A_527 = arith.mulf %sub3A_526, %sub3A_526 : vector<16xf32>
        %add3A_528 = arith.addf %add3A_488, %mul3A_527 : vector<16xf32>
        %get3A_529 = arith.index_cast %add3A_510 : i32 to index
        %get3A_530 = arith.constant 32 : index
        %get3A_531 = tpu.vector_load %arg13[%get3A_529, %get3A_530] {strides = array<i32>} : memref<80x64xf32, #tpu.memory_space<vmem>>, vector<16xf32>,
        %get3A_532 = arith.index_cast %add3A_510 : i32 to index
        %get3A_533 = arith.constant 32 : index
        %get3A_534 = tpu.vector_load %arg18[%get3A_532, %get3A_533] {strides = array<i32>} : memref<80x64xf32, #tpu.memory_space<vmem>>, vector<16xf32>,
        %sub3A_535 = arith.subf %get3A_531, %get3A_534 : vector<16xf32>
        %mul3A_536 = arith.mulf %sub3A_535, %sub3A_535 : vector<16xf32>
        %add3A_537 = arith.addf %add3A_497, %mul3A_536 : vector<16xf32>
        %get3A_538 = arith.index_cast %add3A_510 : i32 to index
        %get3A_539 = arith.constant 48 : index
        %get3A_540 = tpu.vector_load %arg13[%get3A_538, %get3A_539] {strides = array<i32>} : memref<80x64xf32, #tpu.memory_space<vmem>>, vector<16xf32>,
        %get3A_541 = arith.index_cast %add3A_510 : i32 to index
        %get3A_542 = arith.constant 48 : index
        %get3A_543 = tpu.vector_load %arg18[%get3A_541, %get3A_542] {strides = array<i32>} : memref<80x64xf32, #tpu.memory_space<vmem>>, vector<16xf32>,
        %sub3A_544 = arith.subf %get3A_540, %get3A_543 : vector<16xf32>
        %mul3A_545 = arith.mulf %sub3A_544, %sub3A_544 : vector<16xf32>
        %add3A_546 = arith.addf %add3A_506, %mul3A_545 : vector<16xf32>
        scf.yield %add3A_519, %add3A_528, %add3A_537, %add3A_546 : vector<16xf32>, vector<16xf32>, vector<16xf32>, vector<16xf32>
      }
      %scan3A_299 = arith.constant 20 : i32
      %mul3A_300 = arith.constant 40 : i32
      %mul3A_301 = arith.muli %add3A, %mul3A_300 : i32
      %add3A_302 = arith.addi %mul3A_301, %add3A_274 : i32
      %lt3A_303 = arith.constant 1250 : i32
      %lt3A_304 = arith.cmpi slt, %add3A_302, %lt3A_303 : i32
      %jit3A_305 = arith.constant 1.000000e+00 : f32
      %jit3A_306 = arith.constant 0.000000e+00 : f32
      %select_n3A_307 = arith.select %lt3A_304, %jit3A_305, %jit3A_306 : f32
      %mul3A_308 = vector.broadcast %select_n3A_307 : f32 to vector<16xf32>
      %mul3A_309 = arith.mulf %mul3A_308, %scan3A_298#0 : vector<16xf32>
      %add3A_310 = arith.addf %add3A_254, %mul3A_309 : vector<16xf32>
      %mul3A_311 = vector.broadcast %select_n3A_307 : f32 to vector<16xf32>
      %mul3A_312 = arith.mulf %mul3A_311, %scan3A_298#1 : vector<16xf32>
      %add3A_313 = arith.addf %add3A_257, %mul3A_312 : vector<16xf32>
      %mul3A_314 = vector.broadcast %select_n3A_307 : f32 to vector<16xf32>
      %mul3A_315 = arith.mulf %mul3A_314, %scan3A_298#2 : vector<16xf32>
      %add3A_316 = arith.addf %add3A_260, %mul3A_315 : vector<16xf32>
      %mul3A_317 = vector.broadcast %select_n3A_307 : f32 to vector<16xf32>
      %mul3A_318 = arith.mulf %mul3A_317, %scan3A_298#3 : vector<16xf32>
      %add3A_319 = arith.addf %add3A_263, %mul3A_318 : vector<16xf32>
      %add3A_320 = arith.constant 5 : i32
      %add3A_321 = arith.addi %add3A_274, %add3A_320 : i32
      %lt3A_322 = arith.constant 40 : i32
      %lt3A_323 = arith.cmpi slt, %add3A_321, %lt3A_322 : i32
      %convert_element_type3A_324 = arith.extui %lt3A_323 : i1 to i32
      %cond3A_325 = arith.constant 0 : i32
      %cond3A_326 = arith.cmpi ne, %convert_element_type3A_324, %cond3A_325 : i32
      scf.if %cond3A_326 {
        %add3A_383 = arith.constant 5 : i32
        %add3A_384 = arith.addi %add3A_274, %add3A_383 : i32
        %mul3A_385 = arith.constant 40 : i32
        %mul3A_386 = arith.muli %add3A, %mul3A_385 : i32
        %add3A_387 = arith.addi %mul3A_386, %add3A_384 : i32
        %min3A_388 = arith.constant 1249 : i32
        %min3A_389 = arith.minsi %add3A_387, %min3A_388 : i32
        %sub3A_390 = arith.subi %min3A_389, %min3A_3 : i32
        %mul3A_391 = arith.constant 80 : i32
        %mul3A_392 = arith.muli %sub3A_390, %mul3A_391 : i32
        %dma_start3A_393 = tpu.memref_slice %arg7[%mul3A_392] : memref<3200xi32, #tpu.memory_space<vmem>> -> memref<80xi32, #tpu.memory_space<vmem>>
        %dma_start3A_394 = arith.constant 0 : i32
        %dma_start3A_395 = arith.constant 0 : i32
        %dma_start3A_396 = tpu.memref_slice %arg2[%dma_start3A_394, %dma_start3A_395] : memref<100000x64xf32, #tpu.memory_space<hbm>> -> memref<100000x64xf32, #tpu.memory_space<hbm>>
        tpu.enqueue_indirect_dma source(%dma_start3A_396 : memref<100000x64xf32, #tpu.memory_space<hbm>>) target(%arg13 : memref<80x64xf32, #tpu.memory_space<vmem>>) offsets(%dma_start3A_393 : memref<80xi32, #tpu.memory_space<vmem>>) semaphore(%arg23 : memref<!tpu.dma_semaphore, #tpu.memory_space<semaphore_mem>>)
        %dma_start3A_397 = tpu.memref_slice %arg8[%mul3A_392] : memref<3200xi32, #tpu.memory_space<vmem>> -> memref<80xi32, #tpu.memory_space<vmem>>
        %dma_start3A_398 = arith.constant 0 : i32
        %dma_start3A_399 = arith.constant 0 : i32
        %dma_start3A_400 = tpu.memref_slice %arg3[%dma_start3A_398, %dma_start3A_399] : memref<100000x64xf32, #tpu.memory_space<hbm>> -> memref<100000x64xf32, #tpu.memory_space<hbm>>
        tpu.enqueue_indirect_dma source(%dma_start3A_400 : memref<100000x64xf32, #tpu.memory_space<hbm>>) target(%arg18 : memref<80x64xf32, #tpu.memory_space<vmem>>) offsets(%dma_start3A_397 : memref<80xi32, #tpu.memory_space<vmem>>) semaphore(%arg23 : memref<!tpu.dma_semaphore, #tpu.memory_space<semaphore_mem>>)
      } else {
      }
      %mul3A_327 = arith.constant 5 : i32
      %mul3A_328 = arith.muli %scan3A_104, %mul3A_327 : i32
      %add3A_329 = arith.constant 4 : i32
      %add3A_330 = arith.addi %mul3A_328, %add3A_329 : i32
      %mul3A_331 = arith.constant 40 : i32
      %mul3A_332 = arith.muli %add3A, %mul3A_331 : i32
      %add3A_333 = arith.constant 0 : i32
      %add3A_334 = arith.addi %mul3A_332, %add3A_333 : i32
      %min3A_335 = arith.constant 1249 : i32
      %min3A_336 = arith.minsi %add3A_334, %min3A_335 : i32
      %sub3A_337 = arith.subi %min3A_336, %min3A_3 : i32
      %mul3A_338 = arith.constant 80 : i32
      %mul3A_339 = arith.muli %sub3A_337, %mul3A_338 : i32
      %dma_wait3A_340 = tpu.memref_slice %arg7[%mul3A_339] : memref<3200xi32, #tpu.memory_space<vmem>> -> memref<80xi32, #tpu.memory_space<vmem>>
      %dma_wait3A_341 = arith.constant 0 : i32
      %dma_wait3A_342 = arith.constant 0 : i32
      %dma_wait3A_343 = tpu.memref_slice %arg2[%dma_wait3A_341, %dma_wait3A_342] : memref<100000x64xf32, #tpu.memory_space<hbm>> -> memref<100000x64xf32, #tpu.memory_space<hbm>>
      tpu.wait_indirect_dma semaphore(%arg24 : memref<!tpu.dma_semaphore, #tpu.memory_space<semaphore_mem>>) src(%dma_wait3A_343 : memref<100000x64xf32, #tpu.memory_space<hbm>>) dst(%arg14 : memref<80x64xf32, #tpu.memory_space<vmem>>)
      %dma_wait3A_344 = tpu.memref_slice %arg8[%mul3A_339] : memref<3200xi32, #tpu.memory_space<vmem>> -> memref<80xi32, #tpu.memory_space<vmem>>
      %dma_wait3A_345 = arith.constant 0 : i32
      %dma_wait3A_346 = arith.constant 0 : i32
      %dma_wait3A_347 = tpu.memref_slice %arg3[%dma_wait3A_345, %dma_wait3A_346] : memref<100000x64xf32, #tpu.memory_space<hbm>> -> memref<100000x64xf32, #tpu.memory_space<hbm>>
      tpu.wait_indirect_dma semaphore(%arg24 : memref<!tpu.dma_semaphore, #tpu.memory_space<semaphore_mem>>) src(%dma_wait3A_347 : memref<100000x64xf32, #tpu.memory_space<hbm>>) dst(%arg19 : memref<80x64xf32, #tpu.memory_space<vmem>>)
      %broadcast_in_dim3A_348 = arith.constant 0.000000e+00 : f32
      %broadcast_in_dim3A_349 = vector.broadcast %broadcast_in_dim3A_348 : f32 to vector<16xf32>
      %scan3A_350 = arith.constant 0 : i32
      %scan3A_351 = arith.constant 20 : i32
      %scan3A_352 = arith.addi %scan3A_350, %scan3A_351 : i32
      %scan3A_353 = arith.constant 1 : i32
      %scan3A_354:4 = scf.for %scan3A_383 = %scan3A_350 to %scan3A_352 step %scan3A_353 iter_args(%scan3A_384 = %broadcast_in_dim3A_349, %scan3A_385 = %broadcast_in_dim3A_349, %scan3A_386 = %broadcast_in_dim3A_349, %scan3A_387 = %broadcast_in_dim3A_349) -> (vector<16xf32>, vector<16xf32>, vector<16xf32>, vector<16xf32>)  : i32 {
        %mul3A_388 = arith.constant 4 : i32
        %mul3A_389 = arith.muli %scan3A_383, %mul3A_388 : i32
        %add3A_390 = arith.constant 0 : i32
        %add3A_391 = arith.addi %mul3A_389, %add3A_390 : i32
        %get3A = arith.index_cast %add3A_391 : i32 to index
        %get3A_392 = arith.constant 0 : index
        %get3A_393 = tpu.vector_load %arg14[%get3A, %get3A_392] {strides = array<i32>} : memref<80x64xf32, #tpu.memory_space<vmem>>, vector<16xf32>,
        %get3A_394 = arith.index_cast %add3A_391 : i32 to index
        %get3A_395 = arith.constant 0 : index
        %get3A_396 = tpu.vector_load %arg19[%get3A_394, %get3A_395] {strides = array<i32>} : memref<80x64xf32, #tpu.memory_space<vmem>>, vector<16xf32>,
        %sub3A_397 = arith.subf %get3A_393, %get3A_396 : vector<16xf32>
        %mul3A_398 = arith.mulf %sub3A_397, %sub3A_397 : vector<16xf32>
        %add3A_399 = arith.addf %scan3A_384, %mul3A_398 : vector<16xf32>
        %get3A_400 = arith.index_cast %add3A_391 : i32 to index
        %get3A_401 = arith.constant 16 : index
        %get3A_402 = tpu.vector_load %arg14[%get3A_400, %get3A_401] {strides = array<i32>} : memref<80x64xf32, #tpu.memory_space<vmem>>, vector<16xf32>,
        %get3A_403 = arith.index_cast %add3A_391 : i32 to index
        %get3A_404 = arith.constant 16 : index
        %get3A_405 = tpu.vector_load %arg19[%get3A_403, %get3A_404] {strides = array<i32>} : memref<80x64xf32, #tpu.memory_space<vmem>>, vector<16xf32>,
        %sub3A_406 = arith.subf %get3A_402, %get3A_405 : vector<16xf32>
        %mul3A_407 = arith.mulf %sub3A_406, %sub3A_406 : vector<16xf32>
        %add3A_408 = arith.addf %scan3A_385, %mul3A_407 : vector<16xf32>
        %get3A_409 = arith.index_cast %add3A_391 : i32 to index
        %get3A_410 = arith.constant 32 : index
        %get3A_411 = tpu.vector_load %arg14[%get3A_409, %get3A_410] {strides = array<i32>} : memref<80x64xf32, #tpu.memory_space<vmem>>, vector<16xf32>,
        %get3A_412 = arith.index_cast %add3A_391 : i32 to index
        %get3A_413 = arith.constant 32 : index
        %get3A_414 = tpu.vector_load %arg19[%get3A_412, %get3A_413] {strides = array<i32>} : memref<80x64xf32, #tpu.memory_space<vmem>>, vector<16xf32>,
        %sub3A_415 = arith.subf %get3A_411, %get3A_414 : vector<16xf32>
        %mul3A_416 = arith.mulf %sub3A_415, %sub3A_415 : vector<16xf32>
        %add3A_417 = arith.addf %scan3A_386, %mul3A_416 : vector<16xf32>
        %get3A_418 = arith.index_cast %add3A_391 : i32 to index
        %get3A_419 = arith.constant 48 : index
        %get3A_420 = tpu.vector_load %arg14[%get3A_418, %get3A_419] {strides = array<i32>} : memref<80x64xf32, #tpu.memory_space<vmem>>, vector<16xf32>,
        %get3A_421 = arith.index_cast %add3A_391 : i32 to index
        %get3A_422 = arith.constant 48 : index
        %get3A_423 = tpu.vector_load %arg19[%get3A_421, %get3A_422] {strides = array<i32>} : memref<80x64xf32, #tpu.memory_space<vmem>>, vector<16xf32>,
        %sub3A_424 = arith.subf %get3A_420, %get3A_423 : vector<16xf32>
        %mul3A_425 = arith.mulf %sub3A_424, %sub3A_424 : vector<16xf32>
        %add3A_426 = arith.addf %scan3A_387, %mul3A_425 : vector<16xf32>
        %mul3A_427 = arith.constant 4 : i32
        %mul3A_428 = arith.muli %scan3A_383, %mul3A_427 : i32
        %add3A_429 = arith.constant 1 : i32
        %add3A_430 = arith.addi %mul3A_428, %add3A_429 : i32
        %get3A_431 = arith.index_cast %add3A_430 : i32 to index
        %get3A_432 = arith.constant 0 : index
        %get3A_433 = tpu.vector_load %arg14[%get3A_431, %get3A_432] {strides = array<i32>} : memref<80x64xf32, #tpu.memory_space<vmem>>, vector<16xf32>,
        %get3A_434 = arith.index_cast %add3A_430 : i32 to index
        %get3A_435 = arith.constant 0 : index
        %get3A_436 = tpu.vector_load %arg19[%get3A_434, %get3A_435] {strides = array<i32>} : memref<80x64xf32, #tpu.memory_space<vmem>>, vector<16xf32>,
        %sub3A_437 = arith.subf %get3A_433, %get3A_436 : vector<16xf32>
        %mul3A_438 = arith.mulf %sub3A_437, %sub3A_437 : vector<16xf32>
        %add3A_439 = arith.addf %add3A_399, %mul3A_438 : vector<16xf32>
        %get3A_440 = arith.index_cast %add3A_430 : i32 to index
        %get3A_441 = arith.constant 16 : index
        %get3A_442 = tpu.vector_load %arg14[%get3A_440, %get3A_441] {strides = array<i32>} : memref<80x64xf32, #tpu.memory_space<vmem>>, vector<16xf32>,
        %get3A_443 = arith.index_cast %add3A_430 : i32 to index
        %get3A_444 = arith.constant 16 : index
        %get3A_445 = tpu.vector_load %arg19[%get3A_443, %get3A_444] {strides = array<i32>} : memref<80x64xf32, #tpu.memory_space<vmem>>, vector<16xf32>,
        %sub3A_446 = arith.subf %get3A_442, %get3A_445 : vector<16xf32>
        %mul3A_447 = arith.mulf %sub3A_446, %sub3A_446 : vector<16xf32>
        %add3A_448 = arith.addf %add3A_408, %mul3A_447 : vector<16xf32>
        %get3A_449 = arith.index_cast %add3A_430 : i32 to index
        %get3A_450 = arith.constant 32 : index
        %get3A_451 = tpu.vector_load %arg14[%get3A_449, %get3A_450] {strides = array<i32>} : memref<80x64xf32, #tpu.memory_space<vmem>>, vector<16xf32>,
        %get3A_452 = arith.index_cast %add3A_430 : i32 to index
        %get3A_453 = arith.constant 32 : index
        %get3A_454 = tpu.vector_load %arg19[%get3A_452, %get3A_453] {strides = array<i32>} : memref<80x64xf32, #tpu.memory_space<vmem>>, vector<16xf32>,
        %sub3A_455 = arith.subf %get3A_451, %get3A_454 : vector<16xf32>
        %mul3A_456 = arith.mulf %sub3A_455, %sub3A_455 : vector<16xf32>
        %add3A_457 = arith.addf %add3A_417, %mul3A_456 : vector<16xf32>
        %get3A_458 = arith.index_cast %add3A_430 : i32 to index
        %get3A_459 = arith.constant 48 : index
        %get3A_460 = tpu.vector_load %arg14[%get3A_458, %get3A_459] {strides = array<i32>} : memref<80x64xf32, #tpu.memory_space<vmem>>, vector<16xf32>,
        %get3A_461 = arith.index_cast %add3A_430 : i32 to index
        %get3A_462 = arith.constant 48 : index
        %get3A_463 = tpu.vector_load %arg19[%get3A_461, %get3A_462] {strides = array<i32>} : memref<80x64xf32, #tpu.memory_space<vmem>>, vector<16xf32>,
        %sub3A_464 = arith.subf %get3A_460, %get3A_463 : vector<16xf32>
        %mul3A_465 = arith.mulf %sub3A_464, %sub3A_464 : vector<16xf32>
        %add3A_466 = arith.addf %add3A_426, %mul3A_465 : vector<16xf32>
        %mul3A_467 = arith.constant 4 : i32
        %mul3A_468 = arith.muli %scan3A_383, %mul3A_467 : i32
        %add3A_469 = arith.constant 2 : i32
        %add3A_470 = arith.addi %mul3A_468, %add3A_469 : i32
        %get3A_471 = arith.index_cast %add3A_470 : i32 to index
        %get3A_472 = arith.constant 0 : index
        %get3A_473 = tpu.vector_load %arg14[%get3A_471, %get3A_472] {strides = array<i32>} : memref<80x64xf32, #tpu.memory_space<vmem>>, vector<16xf32>,
        %get3A_474 = arith.index_cast %add3A_470 : i32 to index
        %get3A_475 = arith.constant 0 : index
        %get3A_476 = tpu.vector_load %arg19[%get3A_474, %get3A_475] {strides = array<i32>} : memref<80x64xf32, #tpu.memory_space<vmem>>, vector<16xf32>,
        %sub3A_477 = arith.subf %get3A_473, %get3A_476 : vector<16xf32>
        %mul3A_478 = arith.mulf %sub3A_477, %sub3A_477 : vector<16xf32>
        %add3A_479 = arith.addf %add3A_439, %mul3A_478 : vector<16xf32>
        %get3A_480 = arith.index_cast %add3A_470 : i32 to index
        %get3A_481 = arith.constant 16 : index
        %get3A_482 = tpu.vector_load %arg14[%get3A_480, %get3A_481] {strides = array<i32>} : memref<80x64xf32, #tpu.memory_space<vmem>>, vector<16xf32>,
        %get3A_483 = arith.index_cast %add3A_470 : i32 to index
        %get3A_484 = arith.constant 16 : index
        %get3A_485 = tpu.vector_load %arg19[%get3A_483, %get3A_484] {strides = array<i32>} : memref<80x64xf32, #tpu.memory_space<vmem>>, vector<16xf32>,
        %sub3A_486 = arith.subf %get3A_482, %get3A_485 : vector<16xf32>
        %mul3A_487 = arith.mulf %sub3A_486, %sub3A_486 : vector<16xf32>
        %add3A_488 = arith.addf %add3A_448, %mul3A_487 : vector<16xf32>
        %get3A_489 = arith.index_cast %add3A_470 : i32 to index
        %get3A_490 = arith.constant 32 : index
        %get3A_491 = tpu.vector_load %arg14[%get3A_489, %get3A_490] {strides = array<i32>} : memref<80x64xf32, #tpu.memory_space<vmem>>, vector<16xf32>,
        %get3A_492 = arith.index_cast %add3A_470 : i32 to index
        %get3A_493 = arith.constant 32 : index
        %get3A_494 = tpu.vector_load %arg19[%get3A_492, %get3A_493] {strides = array<i32>} : memref<80x64xf32, #tpu.memory_space<vmem>>, vector<16xf32>,
        %sub3A_495 = arith.subf %get3A_491, %get3A_494 : vector<16xf32>
        %mul3A_496 = arith.mulf %sub3A_495, %sub3A_495 : vector<16xf32>
        %add3A_497 = arith.addf %add3A_457, %mul3A_496 : vector<16xf32>
        %get3A_498 = arith.index_cast %add3A_470 : i32 to index
        %get3A_499 = arith.constant 48 : index
        %get3A_500 = tpu.vector_load %arg14[%get3A_498, %get3A_499] {strides = array<i32>} : memref<80x64xf32, #tpu.memory_space<vmem>>, vector<16xf32>,
        %get3A_501 = arith.index_cast %add3A_470 : i32 to index
        %get3A_502 = arith.constant 48 : index
        %get3A_503 = tpu.vector_load %arg19[%get3A_501, %get3A_502] {strides = array<i32>} : memref<80x64xf32, #tpu.memory_space<vmem>>, vector<16xf32>,
        %sub3A_504 = arith.subf %get3A_500, %get3A_503 : vector<16xf32>
        %mul3A_505 = arith.mulf %sub3A_504, %sub3A_504 : vector<16xf32>
        %add3A_506 = arith.addf %add3A_466, %mul3A_505 : vector<16xf32>
        %mul3A_507 = arith.constant 4 : i32
        %mul3A_508 = arith.muli %scan3A_383, %mul3A_507 : i32
        %add3A_509 = arith.constant 3 : i32
        %add3A_510 = arith.addi %mul3A_508, %add3A_509 : i32
        %get3A_511 = arith.index_cast %add3A_510 : i32 to index
        %get3A_512 = arith.constant 0 : index
        %get3A_513 = tpu.vector_load %arg14[%get3A_511, %get3A_512] {strides = array<i32>} : memref<80x64xf32, #tpu.memory_space<vmem>>, vector<16xf32>,
        %get3A_514 = arith.index_cast %add3A_510 : i32 to index
        %get3A_515 = arith.constant 0 : index
        %get3A_516 = tpu.vector_load %arg19[%get3A_514, %get3A_515] {strides = array<i32>} : memref<80x64xf32, #tpu.memory_space<vmem>>, vector<16xf32>,
        %sub3A_517 = arith.subf %get3A_513, %get3A_516 : vector<16xf32>
        %mul3A_518 = arith.mulf %sub3A_517, %sub3A_517 : vector<16xf32>
        %add3A_519 = arith.addf %add3A_479, %mul3A_518 : vector<16xf32>
        %get3A_520 = arith.index_cast %add3A_510 : i32 to index
        %get3A_521 = arith.constant 16 : index
        %get3A_522 = tpu.vector_load %arg14[%get3A_520, %get3A_521] {strides = array<i32>} : memref<80x64xf32, #tpu.memory_space<vmem>>, vector<16xf32>,
        %get3A_523 = arith.index_cast %add3A_510 : i32 to index
        %get3A_524 = arith.constant 16 : index
        %get3A_525 = tpu.vector_load %arg19[%get3A_523, %get3A_524] {strides = array<i32>} : memref<80x64xf32, #tpu.memory_space<vmem>>, vector<16xf32>,
        %sub3A_526 = arith.subf %get3A_522, %get3A_525 : vector<16xf32>
        %mul3A_527 = arith.mulf %sub3A_526, %sub3A_526 : vector<16xf32>
        %add3A_528 = arith.addf %add3A_488, %mul3A_527 : vector<16xf32>
        %get3A_529 = arith.index_cast %add3A_510 : i32 to index
        %get3A_530 = arith.constant 32 : index
        %get3A_531 = tpu.vector_load %arg14[%get3A_529, %get3A_530] {strides = array<i32>} : memref<80x64xf32, #tpu.memory_space<vmem>>, vector<16xf32>,
        %get3A_532 = arith.index_cast %add3A_510 : i32 to index
        %get3A_533 = arith.constant 32 : index
        %get3A_534 = tpu.vector_load %arg19[%get3A_532, %get3A_533] {strides = array<i32>} : memref<80x64xf32, #tpu.memory_space<vmem>>, vector<16xf32>,
        %sub3A_535 = arith.subf %get3A_531, %get3A_534 : vector<16xf32>
        %mul3A_536 = arith.mulf %sub3A_535, %sub3A_535 : vector<16xf32>
        %add3A_537 = arith.addf %add3A_497, %mul3A_536 : vector<16xf32>
        %get3A_538 = arith.index_cast %add3A_510 : i32 to index
        %get3A_539 = arith.constant 48 : index
        %get3A_540 = tpu.vector_load %arg14[%get3A_538, %get3A_539] {strides = array<i32>} : memref<80x64xf32, #tpu.memory_space<vmem>>, vector<16xf32>,
        %get3A_541 = arith.index_cast %add3A_510 : i32 to index
        %get3A_542 = arith.constant 48 : index
        %get3A_543 = tpu.vector_load %arg19[%get3A_541, %get3A_542] {strides = array<i32>} : memref<80x64xf32, #tpu.memory_space<vmem>>, vector<16xf32>,
        %sub3A_544 = arith.subf %get3A_540, %get3A_543 : vector<16xf32>
        %mul3A_545 = arith.mulf %sub3A_544, %sub3A_544 : vector<16xf32>
        %add3A_546 = arith.addf %add3A_506, %mul3A_545 : vector<16xf32>
        scf.yield %add3A_519, %add3A_528, %add3A_537, %add3A_546 : vector<16xf32>, vector<16xf32>, vector<16xf32>, vector<16xf32>
      }
      %scan3A_355 = arith.constant 20 : i32
      %mul3A_356 = arith.constant 40 : i32
      %mul3A_357 = arith.muli %add3A, %mul3A_356 : i32
      %add3A_358 = arith.addi %mul3A_357, %add3A_330 : i32
      %lt3A_359 = arith.constant 1250 : i32
      %lt3A_360 = arith.cmpi slt, %add3A_358, %lt3A_359 : i32
      %jit3A_361 = arith.constant 1.000000e+00 : f32
      %jit3A_362 = arith.constant 0.000000e+00 : f32
      %select_n3A_363 = arith.select %lt3A_360, %jit3A_361, %jit3A_362 : f32
      %mul3A_364 = vector.broadcast %select_n3A_363 : f32 to vector<16xf32>
      %mul3A_365 = arith.mulf %mul3A_364, %scan3A_354#0 : vector<16xf32>
      %add3A_366 = arith.addf %add3A_310, %mul3A_365 : vector<16xf32>
      %mul3A_367 = vector.broadcast %select_n3A_363 : f32 to vector<16xf32>
      %mul3A_368 = arith.mulf %mul3A_367, %scan3A_354#1 : vector<16xf32>
      %add3A_369 = arith.addf %add3A_313, %mul3A_368 : vector<16xf32>
      %mul3A_370 = vector.broadcast %select_n3A_363 : f32 to vector<16xf32>
      %mul3A_371 = arith.mulf %mul3A_370, %scan3A_354#2 : vector<16xf32>
      %add3A_372 = arith.addf %add3A_316, %mul3A_371 : vector<16xf32>
      %mul3A_373 = vector.broadcast %select_n3A_363 : f32 to vector<16xf32>
      %mul3A_374 = arith.mulf %mul3A_373, %scan3A_354#3 : vector<16xf32>
      %add3A_375 = arith.addf %add3A_319, %mul3A_374 : vector<16xf32>
      %add3A_376 = arith.constant 5 : i32
      %add3A_377 = arith.addi %add3A_330, %add3A_376 : i32
      %lt3A_378 = arith.constant 40 : i32
      %lt3A_379 = arith.cmpi slt, %add3A_377, %lt3A_378 : i32
      %convert_element_type3A_380 = arith.extui %lt3A_379 : i1 to i32
      %cond3A_381 = arith.constant 0 : i32
      %cond3A_382 = arith.cmpi ne, %convert_element_type3A_380, %cond3A_381 : i32
      scf.if %cond3A_382 {
        %add3A_383 = arith.constant 5 : i32
        %add3A_384 = arith.addi %add3A_330, %add3A_383 : i32
        %mul3A_385 = arith.constant 40 : i32
        %mul3A_386 = arith.muli %add3A, %mul3A_385 : i32
        %add3A_387 = arith.addi %mul3A_386, %add3A_384 : i32
        %min3A_388 = arith.constant 1249 : i32
        %min3A_389 = arith.minsi %add3A_387, %min3A_388 : i32
        %sub3A_390 = arith.subi %min3A_389, %min3A_3 : i32
        %mul3A_391 = arith.constant 80 : i32
        %mul3A_392 = arith.muli %sub3A_390, %mul3A_391 : i32
        %dma_start3A_393 = tpu.memref_slice %arg7[%mul3A_392] : memref<3200xi32, #tpu.memory_space<vmem>> -> memref<80xi32, #tpu.memory_space<vmem>>
        %dma_start3A_394 = arith.constant 0 : i32
        %dma_start3A_395 = arith.constant 0 : i32
        %dma_start3A_396 = tpu.memref_slice %arg2[%dma_start3A_394, %dma_start3A_395] : memref<100000x64xf32, #tpu.memory_space<hbm>> -> memref<100000x64xf32, #tpu.memory_space<hbm>>
        tpu.enqueue_indirect_dma source(%dma_start3A_396 : memref<100000x64xf32, #tpu.memory_space<hbm>>) target(%arg14 : memref<80x64xf32, #tpu.memory_space<vmem>>) offsets(%dma_start3A_393 : memref<80xi32, #tpu.memory_space<vmem>>) semaphore(%arg24 : memref<!tpu.dma_semaphore, #tpu.memory_space<semaphore_mem>>)
        %dma_start3A_397 = tpu.memref_slice %arg8[%mul3A_392] : memref<3200xi32, #tpu.memory_space<vmem>> -> memref<80xi32, #tpu.memory_space<vmem>>
        %dma_start3A_398 = arith.constant 0 : i32
        %dma_start3A_399 = arith.constant 0 : i32
        %dma_start3A_400 = tpu.memref_slice %arg3[%dma_start3A_398, %dma_start3A_399] : memref<100000x64xf32, #tpu.memory_space<hbm>> -> memref<100000x64xf32, #tpu.memory_space<hbm>>
        tpu.enqueue_indirect_dma source(%dma_start3A_400 : memref<100000x64xf32, #tpu.memory_space<hbm>>) target(%arg19 : memref<80x64xf32, #tpu.memory_space<vmem>>) offsets(%dma_start3A_397 : memref<80xi32, #tpu.memory_space<vmem>>) semaphore(%arg24 : memref<!tpu.dma_semaphore, #tpu.memory_space<semaphore_mem>>)
      } else {
      }
      scf.yield %add3A_366, %add3A_369, %add3A_372, %add3A_375 : vector<16xf32>, vector<16xf32>, vector<16xf32>, vector<16xf32>
    }
    %scan3A_96 = arith.constant 8 : i32
    %add3A_97 = arith.addf %scan3A_95#0, %scan3A_95#1 : vector<16xf32>
    %add3A_98 = arith.addf %scan3A_95#2, %scan3A_95#3 : vector<16xf32>
    %add3A_99 = arith.addf %add3A_97, %add3A_98 : vector<16xf32>
    %mul3A_100 = arith.constant 1.562500e-07 : f32
    %mul3A_101 = vector.broadcast %mul3A_100 : f32 to vector<16xf32>
    %mul3A_102 = arith.mulf %add3A_99, %mul3A_101 : vector<16xf32>
    %swap3A = arith.constant 0 : index
    %swap3A_103 = tpu.vector_load %arg9[%swap3A] {strides = array<i32>} : memref<16xf32, #tpu.memory_space<vmem>>, vector<16xf32>,
    tpu.vector_store %arg9[%swap3A], %mul3A_102 {strides = array<i32>} : memref<16xf32, #tpu.memory_space<vmem>>, vector<16xf32>,
    "tpu.region"() ({
      %run_scoped3A = tpu.sem_alloc : memref<!tpu.dma_semaphore, #tpu.memory_space<semaphore_mem>>
      %dma_start3A_104 = arith.constant 0 : i32
      %dma_start3A_105 = tpu.memref_slice %arg6[%add3A, %dma_start3A_104] : memref<32x16xf32, #tpu.memory_space<hbm>> -> memref<1x16xf32, #tpu.memory_space<hbm>>
      %dma_start3A_106 = tpu.memref_squeeze %dma_start3A_105 : memref<1x16xf32, #tpu.memory_space<hbm>> -> memref<16xf32, #tpu.memory_space<hbm>>
      %dma_start3A_107 = arith.constant 0 : i32
      %dma_start3A_108 = tpu.memref_slice %arg6[%add3A, %dma_start3A_107] : memref<32x16xf32, #tpu.memory_space<hbm>> -> memref<1x16xf32, #tpu.memory_space<hbm>>
      %dma_start3A_109 = tpu.memref_squeeze %dma_start3A_108 : memref<1x16xf32, #tpu.memory_space<hbm>> -> memref<16xf32, #tpu.memory_space<hbm>>
      tpu.enqueue_dma source(%arg9 : memref<16xf32, #tpu.memory_space<vmem>>) target(%dma_start3A_109 : memref<16xf32, #tpu.memory_space<hbm>>) target_semaphore(%run_scoped3A : memref<!tpu.dma_semaphore, #tpu.memory_space<semaphore_mem>>)
      %dma_wait3A = arith.constant 0 : i32
      %dma_wait3A_110 = tpu.memref_slice %arg6[%add3A, %dma_wait3A] : memref<32x16xf32, #tpu.memory_space<hbm>> -> memref<1x16xf32, #tpu.memory_space<hbm>>
      %dma_wait3A_111 = tpu.memref_squeeze %dma_wait3A_110 : memref<1x16xf32, #tpu.memory_space<hbm>> -> memref<16xf32, #tpu.memory_space<hbm>>
      %dma_wait3A_112 = arith.constant 0 : i32
      %dma_wait3A_113 = tpu.memref_slice %arg6[%add3A, %dma_wait3A_112] : memref<32x16xf32, #tpu.memory_space<hbm>> -> memref<1x16xf32, #tpu.memory_space<hbm>>
      %dma_wait3A_114 = tpu.memref_squeeze %dma_wait3A_113 : memref<1x16xf32, #tpu.memory_space<hbm>> -> memref<16xf32, #tpu.memory_space<hbm>>
      tpu.wait_dma2 semaphore(%run_scoped3A : memref<!tpu.dma_semaphore, #tpu.memory_space<semaphore_mem>>) src(%arg9 : memref<16xf32, #tpu.memory_space<vmem>>) dst(%dma_wait3A_114 : memref<16xf32, #tpu.memory_space<hbm>>)
      tpu.yield
    }) : () -> ()
    return
  }
}

</mosaic_0001>

<sc_bundles>
// kernel: _sc_mse.3.cloned.1.call-start
scs
__scs_entry_jumppad:
0x0: {  	(pc) =	sbr.rel $0x88, $3  }
0x1: {  	(tag) =	ssettag $0x0;
	lr =	simm.s32 $0x1  }
0x2: {  	[smem:$0x3F9D] =	sst lr;
	_ =	strace $0xD0000000  }
0x3: {  	_ = 	snop  }
0x4: {  	_ = 	snop  }
0x5: {  	_ = 	snop  }
0x6: {  	_ = 	snop  }
0x7: {  	_ = 	snop  }
__scs_overlays_trampoline_lowered:
0x8: {  	[smem:$0x3FAC] =	sst s0  }
0x9: {  	[smem:$0x3FAD] =	sst s1  }
0xa: {  	[smem:$0x3FAE] =	sst s2  }
0xb: {  	[smem:$0x3FAF] =	sst s3  }
0xc: {  	[smem:$0x3FB0] =	sst s4  }
0xd: {  	[smem:$0x3FB1] =	sst s5  }
0xe: {  	[smem:$0x3FB2] =	sst s6  }
0xf: {  	[smem:$0x3FB3] =	sst s7  }
0x10: {  	[smem:$0x3FB4] =	sst s8  }
0x11: {  	[smem:$0x3FB5] =	sst s9;
	s0 =	simm.s32 @!p0 $0x0  }
0x12: {  	s1 =	sld [smem:$0x3F9B];
	s0 =	simm.s32 @p0 $0x1  }
0x13: {  	[smem:$0x3FB6] =	sst s0;
	s0 =	simm.s32 @!p1 $0x0  }
0x14: {  	s2 =	sld [smem:$0x3F9A];
	s0 =	simm.s32 @p1 $0x1  }
0x15: {  	[smem:$0x3FB7] =	sst s0;
	s0 =	simm.s32 @!p2 $0x0  }
0x16: {  	s3 =	sld [smem:$0x3FDB];
	s0 =	simm.s32 @p2 $0x1  }
0x17: {  	s4 =	simm.s32 $0x1BF5;
	[smem:$0x3FB9] =	sst s0  }
0x18: {  	s0 =	sld [smem:$0x3F9C];
	_ =	swait.ge [sflag:s4], $0x0  }
0x19: {  	s7 =	sld [smem:$0x3F9D]  }
0x1a: {  	s8 =	sadd.s32 $0xFFFFE003, lr  }
0x1b: {  	s9 =	sadd.s32 $0xFFFFFEF7, lr;
	s5 =	simm.s32 $0xFFFFFFFF;
	p2 =	slt.u32 s8, $0xFFFFF086  }
0x1c: {  	p1 =	slt.u32 s9, $0xF7A;
	s5 =	simm.s32 @!p2 $0x0  }
0x1d: {  	s5 =	simm.s32 @p1 $0x1;
	p0 =	seq.s32 s7, s2  }
0x1e: {  	s7 =	smul.u32 @!p0 $0xF7A, s2;
	p2 =	seq.s32 @!p0 s5, $0x0  }
0x1f: {  	s9 =	smul.u32 $0xF7A, s1;
	s8 =	simm.s32 @!p0 $0x1BF5;
	p2 =	por !p2, p0  }
0x20: {  	[sflag:s8] =	ssyncset.s32 @!p0 $0xFFFFF086;
	s6 =	sadd.s32 @!p0 s3, s7;
	s7 =	simm.s32 @!p0 $0x108  }
0x21: {  	s3 =	sadd.s32 s3, s9;
	s6 =	sadd.s32 @!p0 $0x88, s6;
	s7 =	simm.s32 @p2 $0x1082  }
0x22: {  	[simem:s7], [sflag:s8] =	dma.local @!p0 [hbm:s6], $0xF7A  }
0x23: {  	s9 =	sor.u32 $0xD0000000, s2;
	s6 =	simm.s32 $0x108;
	_ =	swait.ge @!p0 [sflag:s8], $0x0  }
0x24: {  	s3 =	sadd.s32 $0x88, s3;
	s6 =	simm.s32 @!p1 $0x1082;
	[sflag:s4] =	ssyncset.s32 $0xFFFFF086  }
0x25: {  	[simem:s6], [sflag:s4] =	dma.local [hbm:s3], $0xF7A  }
0x26: {  	[smem:$0x3F9D] =	sst s1;
	(tag) =	ssettag s2;
	_ =	strace s9  }
0x27: {  	s1 =	sld [smem:$0x3FAD]  }
0x28: {  	s2 =	sld [smem:$0x3FAE]  }
0x29: {  	s4 =	sld [smem:$0x3FB0]  }
0x2a: {  	p0 =	seq.s32 s5, $0x0;
	s5 =	sld [smem:$0x3FB1]  }
0x2b: {  	s6 =	sld [smem:$0x3FB2]  }
0x2c: {  	s7 =	sld [smem:$0x3FB3]  }
0x2d: {  	s3 =	simm.s32 $0x108;
	s8 =	sld [smem:$0x3FB4]  }
0x2e: {  	s3 =	simm.s32 @!p0 $0x1082;
	s9 =	sld [smem:$0x3FB5]  }
0x2f: {  	lr =	sadd.s32 s0, s3;
	s0 =	sld [smem:$0x3FAC]  }
0x30: {  	s3 =	sld [smem:$0x3FAF]  }
0x31: {  	[smem:$0x3FB8] =	sst s10  }
0x32: {  	s10 =	sld [smem:$0x3FB6];
	_ =	sdelay $0x3  }
0x33: {  	p0 =	seq.s32 s10, $0x1;
	s10 =	sld [smem:$0x3FB8];
	_ =	sdelay $0x3  }
0x34: {  	[smem:$0x3FB8] =	sst s10  }
0x35: {  	s10 =	sld [smem:$0x3FB7];
	_ =	sdelay $0x3  }
0x36: {  	p1 =	seq.s32 s10, $0x1;
	s10 =	sld [smem:$0x3FB8];
	_ =	sdelay $0x3  }
0x37: {  	[smem:$0x3FB8] =	sst s10  }
0x38: {  	s10 =	sld [smem:$0x3FB9]  }
0x39: {  	_ = 	snop;
	(pc) =	sbr.ind lr, $3  }
0x3a: {  	_ = 	snop  }
0x3b: {  	_ = 	snop  }
0x3c: {  	p2 =	seq.s32 s10, $0x1;
	s10 =	sld [smem:$0x3FB8]  }
0x3d: {  	_ =	shalt  }
0x3e: {  	_ =	shalt  }
0x3f: {  	_ =	shalt  }
0x40: {  	_ =	shalt  }
0x41: {  	_ =	shalt  }
0x42: {  	_ =	shalt  }
0x43: {  	_ =	shalt  }
0x44: {  	_ =	shalt  }
0x45: {  	_ =	shalt  }
0x46: {  	_ =	shalt  }
0x47: {  	_ =	shalt  }
0x48: {  	_ =	shalt  }
0x49: {  	_ =	shalt  }
0x4a: {  	_ =	shalt  }
0x4b: {  	_ =	shalt  }
0x4c: {  	_ =	shalt  }
0x4d: {  	_ =	shalt  }
0x4e: {  	_ =	shalt  }
0x4f: {  	_ =	shalt  }
0x50: {  	_ =	shalt  }
0x51: {  	_ =	shalt  }
0x52: {  	_ =	shalt  }
0x53: {  	_ =	shalt  }
0x54: {  	_ =	shalt  }
0x55: {  	_ =	shalt  }
0x56: {  	_ =	shalt  }
0x57: {  	_ =	shalt  }
0x58: {  	_ =	shalt  }
0x59: {  	_ =	shalt  }
0x5a: {  	_ =	shalt  }
0x5b: {  	_ =	shalt  }
0x5c: {  	_ =	shalt  }
0x5d: {  	_ =	shalt  }
0x5e: {  	_ =	shalt  }
0x5f: {  	_ =	shalt  }
0x60: {  	_ =	shalt  }
0x61: {  	_ =	shalt  }
0x62: {  	_ =	shalt  }
0x63: {  	_ =	shalt  }
0x64: {  	_ =	shalt  }
0x65: {  	_ =	shalt  }
0x66: {  	_ =	shalt  }
0x67: {  	_ =	shalt  }
0x68: {  	_ =	shalt  }
0x69: {  	_ =	shalt  }
0x6a: {  	_ =	shalt  }
0x6b: {  	_ =	shalt  }
0x6c: {  	_ =	shalt  }
0x6d: {  	_ =	shalt  }
0x6e: {  	_ =	shalt  }
0x6f: {  	_ =	shalt  }
0x70: {  	_ =	shalt  }
0x71: {  	_ =	shalt  }
0x72: {  	_ =	shalt  }
0x73: {  	_ =	shalt  }
0x74: {  	_ =	shalt  }
0x75: {  	_ =	shalt  }
0x76: {  	_ =	shalt  }
0x77: {  	_ =	shalt  }
0x78: {  	_ =	shalt  }
0x79: {  	_ =	shalt  }
0x7a: {  	_ =	shalt  }
0x7b: {  	_ =	shalt  }
0x7c: {  	_ =	shalt  }
0x7d: {  	_ =	shalt  }
0x7e: {  	_ =	shalt  }
0x7f: {  	_ =	shalt  }
0x80: {  	_ =	shalt  }
0x81: {  	_ =	shalt  }
0x82: {  	_ =	shalt  }
0x83: {  	_ =	shalt  }
0x84: {  	_ =	shalt  }
0x85: {  	_ =	shalt  }
0x86: {  	_ =	shalt  }
0x87: {  	_ =	shalt  }
.Lfunc_end0:
.L_simem_size_0:
called_computation_lowered:
.L_overlay_start_0:
0x88: {  	s2 =	sld [smem:$0x3FD9]  }
0x89: {  	s3 =	sld [smem:$0x3FFE];
	_ =	sdelay $0x1  }
0x8a: {  	s1 =	srdreg.scid  }
0x8b: {  	s0 =	sand.u32 $0x1, s1  }
0x8c: {  	s17 =	sshll.u32 s0, $0xA;
	s2 =	sadd.s32 s3, s2  }
0x8d: {  	s2 =	sadd.s32 s2, s17  }
0x8e: {  	[smem:$0x3FC4] =	sst s2  }
0x8f: {  	_ = 	snop  }
0x90: {  	s2 =	sld [smem:$0x3FC7]  }
0x91: {  	s18 =	sld [smem:$0x3FC6]  }
0x92: {  	s4 =	sld [smem:$0x3FD0];
	(tm) =	ssettm $0x1  }
0x93: {  	s5 =	sld [smem:$0x3FFB];
	_ =	sdelay $0x3  }
0x94: {  	_ =	strace s5  }
0x95: {  	s5 =	sld [smem:$0x3FFC];
	_ =	sdelay $0x3  }
0x96: {  	_ =	strace s5  }
0x97: {  	s5 =	sld [smem:$0x3FFD];
	_ =	sdelay $0x3  }
0x98: {  	_ =	strace s5  }
0x99: {  	_ =	strace $0x8FFFFFFF  }
0x9a: {  	s19 =	sld [smem:$0x3FDB];
	_ =	sdelay $0x1  }
0x9b: {  	s6 =	simm.s32 $_scs_section_size  }
0x9c: {  	s7 =	simm.s32 $_size__tile_overlayer_lowered;
	s8 =	simm.s32 $_tile_overlayer_lowered  }
0x9d: {  	s22 =	simm.s32 $0x1BFF;
	s21 =	sshll.u32 s8, $0x1;
	s5 =	sadd.s32 s6, s19  }
0x9e: {  	s9 =	simm.s32 $0x0;
	s20 =	sshll.u32 s7, $0x1;
	s7 =	sadd.s32 s21, s5  }
0x9f: {  	[timem:s9], [sflag:s22] =	dma.local [hbm:s7], s20  }
0xa0: {  	_ =	swait.ge [sflag:s22], s20  }
0xa1: {  	s6 =	ssub.s32 $0x0, s20;
	[sflag:s22] =	ssyncset.done $0x0  }
0xa2: {  	[sflag:s22] =	ssyncadd.s32 s6;
	_ =	sdelay $0x1  }
0xa3: {  	s23 =	simm.s32 $0x1B8B  }
0xa4: {  	_ =	swait.ge [sflag:s23], $0x1  }
0xa5: {  	[sflag:s23] =	ssyncset.done $0x0  }
0xa6: {  	s25 =	simm.s32 $0x1B8E;
	s24 =	sld [smem:$0x3FFE];
	[sflag:s23] =	ssyncadd.s32 $0xFFFFFFFF  }
0xa7: {  	s26 =	simm.s32 $execute0_lowered;
	[smem:$0x3FD2] =	sst s25  }
0xa8: {  	s7 =	sshll.u32 s26, $0x1;
	_ =	strace $0x80000046;
	[dreg:$0x1] =	wrdreg $0xFFFFFFFF  }
0xa9: {  	s28 =	simm.s32 $_size_execute0_lowered;
	s5 =	sadd.s32 s5, s7;
	[dreg:$0x0] =	wrdreg $0x0  }
0xaa: {  	s7 =	sshll.u32 s28, $0x1;
	[dreg:$0x2] =	wrdreg s5  }
0xab: {  	[dreg:$0x3] =	wrdreg s7  }
0xac: {  	[dreg:$0x4] =	wrdreg $0xC0  }
0xad: {  	_ =	task [dreg:s9], $0x5FFFF  }
0xae: {  	[dreg:$0x1] =	wrdreg $0xFFFFFFFF  }
0xaf: {  	[dreg:$0x0] =	wrdreg $0x60  }
0xb0: {  	[dreg:$0x2] =	wrdreg s24  }
0xb1: {  	[dreg:$0x3] =	wrdreg s2  }
0xb2: {  	[dreg:$0x4] =	wrdreg s18  }
0xb3: {  	[dreg:$0x5] =	wrdreg s4  }
0xb4: {  	[dreg:$0x6] =	wrdreg $0x9  }
0xb5: {  	_ =	task.clear_ibuf [dreg:s9], $0x7FFFF;
	_ =	strace $0x90000046  }
0xb6: {  	s29 =	simm.s32 $0x9;
	_ =	strace $0x80000048  }
0xb7: {  	_ =	swait.ge [sflag:s29], $0x1  }
0xb8: {  	[sflag:s29] =	ssyncadd.s32 $0xFFFFFFFF  }
0xb9: {  	_ =	strace $0x90000048  }
0xba: {  	_ =	sfence  }
0xbb: {  	s30 =	sld [smem:$0x0];
	_ =	sdelay $0x2  }
0xbc: {  	s31 =	sshll.u32 s1, $0xD;
	s1 =	sshrl.u32 s1, $0x2  }
0xbd: {  	s3 =	sand.u32 $0x4000, s31;
	s1 =	sadd.s32 s1, s30  }
0xbe: {  	s0 =	sor.u32 s3, s0;
	s1 =	sshll.u32 s1, $0x11  }
0xbf: {  	s0 =	sor.u32 s1, s0  }
0xc0: {  	s0 =	sadd.s32 $0x8F2B, s0  }
0xc1: {  	[sflag:s0] =	ssyncadd.remote.s32 $0x1  }
0xc2: {  	_ =	sfence.sel $0xFFFF  }
0xc3: {  	[dreg:$0x0] =	wrdreg $0xFFFFFFFF;
	(pc) =	sbr.abs _section_cstart, $3  }
0xc4: {  	[dreg:$0x1] =	wrdreg $0xFFFFFFFF  }
0xc5: {  	_ =	task.clear_ibuf [dreg:s9], $0x2FFFF;
	_ =	strace $0x9FFFFFFF  }
0xc6: {  	(tm) =	ssettm $0x7FFFFFFF  }
0xc7: {  	_ =	shalt  }
tec
execute0_lowered:
.L_overlay_start_1:
0x0: {  	(tag) =	ssettag $0x1  }
0x1: {  	s0 =	rddreg [dreg:$0x0]  }
0x2: {  	s1 =	rddreg [dreg:$0x1]  }
0x3: {  	s8 =	rddreg [dreg:$0x2];
	s2 =	srdreg.scid  }
0x4: {  	s3 =	stileid.u32;
	s10 =	rddreg [dreg:$0x3]  }
0x5: {  	s31 =	simm.s32 $0x6;
	s5 =	sand.u32 $0x1, s2;
	s3 =	sshll.u32 s3, $0x1  }
0x6: {  	s2 =	simm.s32 $0x0;
	s4 =	sadd.s32 $0x188A00, s0;
	s15 =	sor.u32 s5, s3  }
0x7: {  	[smem:$0x7FF] =	sst s2;
	s14 =	ssub.s32 $0x2, s5;
	s3 =	smul.u32 $0x28, s15  }
0x8: {  	s5 =	sadd.s32 $0x24C000, s0;
	_ =	strace $0x80000047;
	s25 =	sshrl.u32 s14, $0x1  }
0x9: {  	s0 =	ssub.s32 s14, s25;
	s6 =	smin.u32 s3, $0x4BA;
	s7 =	sor.u32 $0x1, s3  }
0xa: {  	s13 =	sor.u32 $0x4, s3;
	s0 =	smax.u32 s0, $0x1;
	s28 =	sor.u32 $0x7, s3  }
0xb: {  	s29 =	sadd.s32 $0x8, s3;
	s30 =	sadd.s32 $0x9, s3;
	s16 =	smul.u32 $0xA, s6  }
0xc: {  	s9 =	ssub.s32 s3, s6;
	s11 =	ssub.s32 s7, s6;
	s26 =	ssub.s32 s13, s6  }
0xd: {  	[dreg:$0x10] =	wrdreg s0;
	s0 =	simm.s32 $0x50;
	s18 =	smul.u32 $0x50, s9  }
0xe: {  	s9 =	sor.u32 $0x2, s3;
	s19 =	smul.u32 $0x50, s11;
	s11 =	sor.u32 $0x3, s3  }
0xf: {  	s12 =	ssub.s32 s9, s6;
	s17 =	ssub.s32 s11, s6;
	s1 =	sadd.s32 s1, s16  }
0x10: {  	s20 =	sadd.s32 s8, s16;
	s12 =	smul.u32 $0x50, s12;
	[dreg:$0x8] =	wrdreg s1  }
0x11: {  	s16 =	simm.s32 $0x1;
	s14 =	smul.u32 $0x50, s17;
	[dreg:$0x9] =	wrdreg s20  }
0x12: {  	s17 =	smul.u32 $0x50, s26;
	[dreg:$0x5] =	wrdreg s18;
	s21 =	sadd.s32 $0xC80, s18  }
0x13: {  	[dreg:$0x6] =	wrdreg s19;
	s22 =	sadd.s32 $0xC80, s19;
	s26 =	sshll.u32 s15, $0x1  }
0x14: {  	s15 =	simm.s32 $0xCD10;
	s18 =	simm.s32 $0x2;
	[dreg:$0xa] =	wrdreg s21  }
0x15: {  	s19 =	simm.s32 $0x3;
	s20 =	simm.s32 $0x4;
	[dreg:$0xb] =	wrdreg s22  }
.Ltmp0:
0x16: {  	s1 =	sadd.s32 s10, s26;
	[dreg:$0x7] =	wrdreg s12;
	(pc) =	sbr.rel .LBB2_1-.Ltmp0, $4  }
0x17: {  	s26 =	sor.u32 $0x6, s3;
	s23 =	sadd.s32 $0xC80, s12;
	[dreg:$0xf] =	wrdreg s1  }
0x18: {  	s21 =	simm.s32 $0x5;
	s24 =	sadd.s32 $0xC80, s14;
	[dreg:$0xc] =	wrdreg s23  }
0x19: {  	s22 =	simm.s32 $0x0;
	s25 =	sadd.s32 $0xC80, s17;
	[dreg:$0xd] =	wrdreg s24  }
0x1a: {  	s1 =	simm.s32 $0x6910;
	[dreg:$0xe] =	wrdreg s25;
	s24 =	sor.u32 $0x5, s3  }
.LBB2_14:
0x1b: {  	v2 =	vadd.f32 v2, v3;
	v0 =	vadd.f32 v0, v1;
	_ =	sdelay $0x1  }
0x1c: {  	v0 =	vadd.f32 v0, v2;
	_ =	sdelay $0x1  }
0x1d: {  	v0 =	vmul.f32 $1.562499960e-07, v0;
	_ =	sdelay $0x1  }
0x1e: {  	s8 =	rddreg [dreg:$0xf];
	s10 =	simm.s32 $0x1900;
	[tilespmem:$0x1900] =	vst v0  }
0x1f: {  	[hbm4b:s8+s2] =	stream.linear.scatter [tilespmem:s10], [sflag:$0x6], $0x10, $0x38;
	[tilespmem:$0xE110] =	vst v63  }
0x20: {  	_ =	swait.ge [sflag:s31], $0x10  }
0x21: {  	s22 =	sadd.s32 $0x1, s22;
	s25 =	rddreg [dreg:$0x10]  }
0x22: {  	p0 =	sne.s32 s22, s25  }
.Ltmp1:
0x23: {  	_ = 	snop;
	(pc) =	sbr.rel @!p0 .LBB2_15-.Ltmp1, $3  }
0x24: {  	_ =	sdelay $0x1  }
0x25: {  	[sflag:s31] =	ssyncset.done $0x0  }
0x26: {  	[sflag:s31] =	ssyncadd.s32 $0xFFFFFFF0  }
.LBB2_1:
0x27: {  	s8 =	rddreg [dreg:$0x8]  }
0x28: {  	[tilespmem:s2], [sflag:$0x6] =	stream.linear.gather [hbm4b:s8+s2], $0xC80, $0x38;
	[tilespmem:$0xE110] =	vst v63  }
0x29: {  	_ =	swait.ge [sflag:s31], $0xC80  }
0x2a: {  	[sflag:s31] =	ssyncset.done $0x0  }
0x2b: {  	s10 =	simm.s32 $0xC80;
	s25 =	rddreg [dreg:$0x9];
	[sflag:s31] =	ssyncadd.s32 $0xFFFFF380  }
0x2c: {  	[tilespmem:s10], [sflag:$0x6] =	stream.linear.gather [hbm4b:s25+s2], $0xC80, $0x38;
	[tilespmem:$0xE110] =	vst v63  }
0x2d: {  	_ =	swait.ge [sflag:s31], $0xC80  }
0x2e: {  	[sflag:s31] =	ssyncset.done $0x0  }
0x2f: {  	s12 =	simm.s32 $0x1910;
	s10 =	rddreg [dreg:$0x5];
	[sflag:s31] =	ssyncadd.s32 $0xFFFFF380  }
0x30: {  	[tilespmem:s12], [sflag:$0x1] =	stream.indirect.gather [hbm4b:s4+s0], $0x40, s10, s0, $0xb8;
	[tilespmem:$0xE110] =	vst v63  }
0x31: {  	s25 =	simm.s32 $0x7D10;
	s23 =	rddreg [dreg:$0xa]  }
0x32: {  	[tilespmem:s25], [sflag:$0x1] =	stream.indirect.gather [hbm4b:s5+s0], $0x40, s23, s0, $0xb8;
	[tilespmem:$0xE110] =	vst v63  }
0x33: {  	s10 =	rddreg [dreg:$0x6];
	s12 =	simm.s32 $0x2D10  }
0x34: {  	[tilespmem:s12], [sflag:$0x2] =	stream.indirect.gather [hbm4b:s4+s0], $0x40, s10, s0, $0xb8;
	[tilespmem:$0xE110] =	vst v63  }
0x35: {  	s23 =	rddreg [dreg:$0xb];
	s25 =	simm.s32 $0x9110  }
0x36: {  	[tilespmem:s25], [sflag:$0x2] =	stream.indirect.gather [hbm4b:s5+s0], $0x40, s23, s0, $0xb8;
	[tilespmem:$0xE110] =	vst v63  }
0x37: {  	s10 =	rddreg [dreg:$0x7];
	s12 =	simm.s32 $0x4110  }
0x38: {  	[tilespmem:s12], [sflag:$0x3] =	stream.indirect.gather [hbm4b:s4+s0], $0x40, s10, s0, $0xb8;
	[tilespmem:$0xE110] =	vst v63  }
0x39: {  	s23 =	rddreg [dreg:$0xc];
	s25 =	simm.s32 $0xA510  }
0x3a: {  	[tilespmem:s25], [sflag:$0x3] =	stream.indirect.gather [hbm4b:s5+s0], $0x40, s23, s0, $0xb8;
	[tilespmem:$0xE110] =	vst v63  }
0x3b: {  	s10 =	simm.s32 $0x5510  }
0x3c: {  	[tilespmem:s10], [sflag:$0x4] =	stream.indirect.gather [hbm4b:s4+s0], $0x40, s14, s0, $0xb8;
	[tilespmem:$0xE110] =	vst v63  }
0x3d: {  	s12 =	rddreg [dreg:$0xd];
	s23 =	simm.s32 $0xB910  }
0x3e: {  	[tilespmem:s23], [sflag:$0x4] =	stream.indirect.gather [hbm4b:s5+s0], $0x40, s12, s0, $0xb8;
	[tilespmem:$0xE110] =	vst v63  }
0x3f: {  	_ = 	snop  }
0x40: {  	[tilespmem:s1], [sflag:$0x5] =	stream.indirect.gather [hbm4b:s4+s0], $0x40, s17, s0, $0xb8;
	[tilespmem:$0xE110] =	vst v63  }
0x41: {  	v0 =	vimm.f32 $0.0e+00;
	s25 =	rddreg [dreg:$0xe];
	s23 =	simm.s32 $0x0  }
0x42: {  	v1 =	vimm.f32 $0.0e+00;
	v2 =	vimm.f32 $0.0e+00;
	v3 =	vimm.f32 $0.0e+00;
	[tilespmem:s15], [sflag:$0x5] =	stream.indirect.gather [hbm4b:s5+s0], $0x40, s25, s0, $0xb8;
	[tilespmem:$0xE110] =	vst v63  }
.LBB2_2:
0x43: {  	_ =	swait.ge [sflag:s16], $0x1400  }
0x44: {  	[sflag:s16] =	ssyncset.done $0x0  }
0x45: {  	[sflag:s16] =	ssyncadd.s32 $0xFFFFEC00  }
0x46: {  	_ =	swait.ge [sflag:s16], $0x1400  }
0x47: {  	[sflag:s16] =	ssyncset.done $0x0  }
0x48: {  	s8 =	simm.s32 $0x0;
	[sflag:s16] =	ssyncadd.s32 $0xFFFFEC00  }
0x49: {  	v4 =	vld [tilespmem:s8+$0x19D0]  }
0x4a: {  	v5 =	vld [tilespmem:s8+$0x7DD0]  }
0x4b: {  	v7 =	vld [tilespmem:s8+$0x19E0]  }
0x4c: {  	v8 =	vld [tilespmem:s8+$0x7DE0]  }
0x4d: {  	v9 =	vld [tilespmem:s8+$0x19F0]  }
0x4e: {  	v10 =	vld [tilespmem:s8+$0x7DF0]  }
0x4f: {  	v31 =	vld [tilespmem:s8+$0x1A00]  }
0x50: {  	v32 =	vld [tilespmem:s8+$0x7E00]  }
0x51: {  	v20 =	vld [tilespmem:s8+$0x1990]  }
0x52: {  	v33 =	vld [tilespmem:s8+$0x7D90]  }
0x53: {  	v12 =	vld [tilespmem:s8+$0x19A0]  }
0x54: {  	v13 =	vld [tilespmem:s8+$0x7DA0]  }
0x55: {  	v14 =	vld [tilespmem:s8+$0x19B0]  }
0x56: {  	v19 =	vld [tilespmem:s8+$0x7DB0]  }
0x57: {  	v17 =	vld [tilespmem:s8+$0x19C0]  }
0x58: {  	v18 =	vld [tilespmem:s8+$0x7DC0]  }
0x59: {  	v23 =	vld [tilespmem:s8+$0x1950]  }
0x5a: {  	v24 =	vld [tilespmem:s8+$0x7D50]  }
0x5b: {  	v21 =	vld [tilespmem:s8+$0x1960]  }
0x5c: {  	v22 =	vld [tilespmem:s8+$0x7D60]  }
0x5d: {  	v6 =	vld [tilespmem:s8+$0x1970]  }
0x5e: {  	v11 =	vld [tilespmem:s8+$0x7D70]  }
0x5f: {  	v27 =	vld [tilespmem:s8+$0x1910]  }
0x60: {  	v29 =	vld [tilespmem:s8+$0x7D10]  }
0x61: {  	v25 =	vld [tilespmem:s8+$0x1920]  }
0x62: {  	v28 =	vld [tilespmem:s8+$0x7D20];
	v16 =	vsub.f32 v4, v5  }
0x63: {  	v26 =	vld [tilespmem:s8+$0x1930];
	v15 =	vsub.f32 v7, v8;
	v5 =	vsub.f32 v9, v10  }
0x64: {  	v30 =	vld [tilespmem:s8+$0x7D30];
	v20 =	vsub.f32 v20, v33;
	v4 =	vsub.f32 v31, v32;
	v10 =	vimm.f32 $0.0e+00  }
0x65: {  	s25 =	simm.s32 $0x400;
	v31 =	vld [tilespmem:s8+$0x1940];
	v9 =	vimm.f32 $0.0e+00;
	v8 =	vimm.f32 $0.0e+00;
	v7 =	vimm.f32 $0.0e+00  }
.LBB2_3:
0x66: {  	p0 =	sne.s32 s25, $0x4C00;
	v32 =	vld [tilespmem:s8+$0x7D40];
	v12 =	vsub.f32 v12, v13;
	v13 =	vsub.f32 v14, v19  }
0x67: {  	v14 =	vsub.f32 v23, v24;
	v17 =	vsub.f32 v17, v18;
	v19 =	vld [tilespmem:s8+$0x1980]  }
0x68: {  	v18 =	vsub.f32 v27, v29;
	v21 =	vsub.f32 v21, v22;
	v22 =	vld [tilespmem:s8+$0x7D80];
	s8 =	sshra.s32 s25, $0x2  }
0x69: {  	v16 =	vmul.f32 v16, v16;
	v15 =	vmul.f32 v15, v15;
	v23 =	vsub.f32 v25, v28;
	v33 =	vld [tilespmem:s8+$0x19D0]  }
0x6a: {  	v20 =	vmul.f32 v20, v20;
	v12 =	vmul.f32 v12, v12;
	v24 =	vsub.f32 v26, v30;
	v34 =	vld [tilespmem:s8+$0x7DD0]  }
0x6b: {  	v14 =	vmul.f32 v14, v14;
	v21 =	vmul.f32 v21, v21;
	v35 =	vld [tilespmem:s8+$0x19E0];
	v25 =	vsub.f32 v31, v32  }
0x6c: {  	v6 =	vsub.f32 v6, v11;
	v18 =	vmul.f32 v18, v18;
	v23 =	vmul.f32 v23, v23;
	v31 =	vld [tilespmem:s8+$0x7DE0]  }
0x6d: {  	v11 =	vmul.f32 v24, v24;
	v32 =	vld [tilespmem:s8+$0x19F0];
	v24 =	vmul.f32 v25, v25;
	v19 =	vsub.f32 v19, v22  }
0x6e: {  	v6 =	vmul.f32 v6, v6;
	v10 =	vadd.f32 v18, v10;
	v9 =	vadd.f32 v23, v9;
	v36 =	vld [tilespmem:s8+$0x7DF0]  }
0x6f: {  	v8 =	vadd.f32 v11, v8;
	v37 =	vld [tilespmem:s8+$0x1A00];
	v7 =	vadd.f32 v24, v7;
	v11 =	vmul.f32 v19, v19  }
0x70: {  	v13 =	vmul.f32 v13, v13;
	v10 =	vadd.f32 v14, v10;
	v9 =	vadd.f32 v21, v9;
	v38 =	vld [tilespmem:s8+$0x7E00]  }
0x71: {  	v6 =	vadd.f32 v6, v8;
	v8 =	vmul.f32 v17, v17;
	v39 =	vld [tilespmem:s8+$0x1990];
	v7 =	vadd.f32 v11, v7  }
0x72: {  	v5 =	vmul.f32 v5, v5;
	v10 =	vadd.f32 v20, v10;
	v9 =	vadd.f32 v12, v9;
	v40 =	vld [tilespmem:s8+$0x7D90]  }
0x73: {  	v4 =	vmul.f32 v4, v4;
	v6 =	vadd.f32 v13, v6;
	v12 =	vld [tilespmem:s8+$0x19A0];
	v7 =	vadd.f32 v8, v7  }
0x74: {  	v10 =	vadd.f32 v16, v10;
	v9 =	vadd.f32 v15, v9;
	v13 =	vld [tilespmem:s8+$0x7DA0]  }
0x75: {  	v8 =	vadd.f32 v5, v6;
	v14 =	vld [tilespmem:s8+$0x19B0];
	v7 =	vadd.f32 v4, v7  }
0x76: {  	v19 =	vld [tilespmem:s8+$0x7DB0]  }
0x77: {  	v17 =	vld [tilespmem:s8+$0x19C0]  }
0x78: {  	v18 =	vld [tilespmem:s8+$0x7DC0]  }
0x79: {  	v23 =	vld [tilespmem:s8+$0x1950]  }
0x7a: {  	v24 =	vld [tilespmem:s8+$0x7D50]  }
0x7b: {  	v21 =	vld [tilespmem:s8+$0x1960]  }
0x7c: {  	v22 =	vld [tilespmem:s8+$0x7D60]  }
0x7d: {  	v6 =	vld [tilespmem:s8+$0x1970]  }
0x7e: {  	v11 =	vld [tilespmem:s8+$0x7D70]  }
0x7f: {  	v27 =	vld [tilespmem:s8+$0x1910]  }
0x80: {  	v29 =	vld [tilespmem:s8+$0x7D10]  }
.Ltmp2:
0x81: {  	v25 =	vld [tilespmem:s8+$0x1920];
	(pc) =	sbr.rel @p0 .LBB2_3-.Ltmp2, $4  }
0x82: {  	v28 =	vld [tilespmem:s8+$0x7D20]  }
0x83: {  	v16 =	vsub.f32 v33, v34;
	v26 =	vld [tilespmem:s8+$0x1930]  }
0x84: {  	v15 =	vsub.f32 v35, v31;
	v5 =	vsub.f32 v32, v36;
	v30 =	vld [tilespmem:s8+$0x7D30]  }
0x85: {  	s25 =	sadd.s32 $0x400, s25;
	v4 =	vsub.f32 v37, v38;
	v20 =	vsub.f32 v39, v40;
	v31 =	vld [tilespmem:s8+$0x1940]  }
0x86: {  	s25 =	smul.u32 $0x5, s23  }
0x87: {  	p0 =	seq.s32 s23, $0x7  }
0x88: {  	s10 =	sadd.s32 @!p0 s25, s24  }
0x89: {  	p1 =	slt.s32 @!p0 s10, $0x4E1  }
0x8a: {  	p1 =	por !p1, p0  }
0x8b: {  	s10 =	simm.s32 @p1 $0x4E1  }
0x8c: {  	v32 =	vld [tilespmem:s8+$0x7D40];
	s10 =	ssub.s32 @!p0 s10, s6  }
0x8d: {  	v33 =	vld [tilespmem:s8+$0x1980];
	s10 =	smul.u32 @!p0 $0x50, s10  }
0x8e: {  	v34 =	vld [tilespmem:s8+$0x7D80];
	s8 =	simm.s32 @!p0 $0x50;
	s12 =	simm.s32 @!p0 $0x1910  }
0x8f: {  	[tilespmem:s12], [sflag:$0x1] =	stream.indirect.gather @!p0 [hbm4b:s4+s8], $0x40, s10, s8, $0xb8;
	[tilespmem:$0xE110] =	vst v63  }
0x90: {  	s10 =	sadd.s32 @!p0 $0xC80, s10;
	s12 =	simm.s32 @!p0 $0x7D10  }
0x91: {  	[tilespmem:s12], [sflag:$0x1] =	stream.indirect.gather @!p0 [hbm4b:s5+s8], $0x40, s10, s8, $0xb8;
	[tilespmem:$0xE110] =	vst v63  }
0x92: {  	_ =	swait.ge [sflag:s18], $0x1400  }
0x93: {  	[sflag:s18] =	ssyncset.done $0x0  }
0x94: {  	[sflag:s18] =	ssyncadd.s32 $0xFFFFEC00  }
0x95: {  	_ =	swait.ge [sflag:s18], $0x1400  }
0x96: {  	[sflag:s18] =	ssyncset.done $0x0  }
0x97: {  	s8 =	simm.s32 $0x0;
	[sflag:s18] =	ssyncadd.s32 $0xFFFFEC00  }
0x98: {  	v35 =	vld [tilespmem:s8+$0x2DD0]  }
0x99: {  	v36 =	vld [tilespmem:s8+$0x91D0]  }
0x9a: {  	v37 =	vld [tilespmem:s8+$0x2DE0]  }
0x9b: {  	v38 =	vld [tilespmem:s8+$0x91E0]  }
0x9c: {  	v39 =	vld [tilespmem:s8+$0x2DF0]  }
0x9d: {  	v40 =	vsub.f32 v12, v13;
	v41 =	vld [tilespmem:s8+$0x91F0]  }
0x9e: {  	v19 =	vsub.f32 v14, v19;
	v12 =	vsub.f32 v23, v24;
	v42 =	vld [tilespmem:s8+$0x2E00]  }
0x9f: {  	v17 =	vsub.f32 v17, v18;
	v13 =	vsub.f32 v27, v29;
	v43 =	vld [tilespmem:s8+$0x9200]  }
0xa0: {  	v14 =	vsub.f32 v21, v22;
	v18 =	vsub.f32 v25, v28;
	v24 =	vld [tilespmem:s8+$0x2D90]  }
0xa1: {  	v13 =	vmul.f32 v13, v13;
	v21 =	vsub.f32 v26, v30;
	v22 =	vsub.f32 v31, v32;
	v31 =	vld [tilespmem:s8+$0x9190]  }
0xa2: {  	v11 =	vsub.f32 v6, v11;
	v20 =	vmul.f32 v20, v20;
	v25 =	vmul.f32 v12, v12;
	v6 =	vld [tilespmem:s8+$0x2DA0]  }
0xa3: {  	v18 =	vmul.f32 v18, v18;
	v13 =	vadd.f32 v13, v10;
	v21 =	vmul.f32 v21, v21;
	v10 =	vld [tilespmem:s8+$0x91A0]  }
0xa4: {  	v11 =	vmul.f32 v11, v11;
	v23 =	vsub.f32 v33, v34;
	v22 =	vmul.f32 v22, v22;
	v12 =	vld [tilespmem:s8+$0x2DB0]  }
0xa5: {  	v26 =	vmul.f32 v14, v14;
	v9 =	vadd.f32 v18, v9;
	v8 =	vadd.f32 v21, v8;
	v14 =	vld [tilespmem:s8+$0x91B0]  }
0xa6: {  	v21 =	vadd.f32 v25, v13;
	v18 =	vmul.f32 v23, v23;
	v7 =	vadd.f32 v22, v7;
	v13 =	vld [tilespmem:s8+$0x2DC0]  }
0xa7: {  	v19 =	vmul.f32 v19, v19;
	v9 =	vadd.f32 v26, v9;
	v22 =	vmul.f32 v16, v16;
	v16 =	vld [tilespmem:s8+$0x91C0]  }
0xa8: {  	v8 =	vadd.f32 v11, v8;
	v11 =	vmul.f32 v40, v40;
	v7 =	vadd.f32 v18, v7;
	v18 =	vld [tilespmem:s8+$0x2D50]  }
0xa9: {  	v15 =	vmul.f32 v15, v15;
	v21 =	vadd.f32 v20, v21;
	v20 =	vld [tilespmem:s8+$0x9150]  }
0xaa: {  	v17 =	vmul.f32 v17, v17;
	v9 =	vadd.f32 v11, v9;
	v8 =	vadd.f32 v19, v8;
	v19 =	vld [tilespmem:s8+$0x2D60]  }
0xab: {  	v5 =	vmul.f32 v5, v5;
	s12 =	sadd.s32 s3, s25;
	v11 =	vadd.f32 v22, v21;
	v22 =	vld [tilespmem:s8+$0x9160]  }
0xac: {  	v4 =	vmul.f32 v4, v4;
	s10 =	simm.f32 $1.000000000e+00;
	p1 =	slt.u32 s12, $0x4E2;
	v7 =	vadd.f32 v17, v7;
	v9 =	vadd.f32 v15, v9;
	v15 =	vld [tilespmem:s8+$0x2D70]  }
0xad: {  	v5 =	vadd.f32 v5, v8;
	s10 =	simm.s32 @!p1 $0x0;
	v17 =	vld [tilespmem:s8+$0x9170]  }
0xae: {  	v4 =	vadd.f32 v4, v7;
	v7 =	vmul.f32 s10, v11;
	v25 =	vld [tilespmem:s8+$0x2D10]  }
0xaf: {  	v8 =	vmul.f32 s10, v9;
	v5 =	vmul.f32 s10, v5;
	v28 =	vld [tilespmem:s8+$0x9110]  }
0xb0: {  	v3 =	vadd.f32 v7, v3;
	v4 =	vmul.f32 s10, v4;
	v26 =	vld [tilespmem:s8+$0x2D20]  }
0xb1: {  	v11 =	vimm.f32 $0.0e+00;
	v2 =	vadd.f32 v8, v2;
	v1 =	vadd.f32 v5, v1;
	v29 =	vld [tilespmem:s8+$0x9120]  }
0xb2: {  	v9 =	vimm.f32 $0.0e+00;
	v27 =	vld [tilespmem:s8+$0x2D30];
	v0 =	vadd.f32 v4, v0;
	v23 =	vsub.f32 v35, v36  }
0xb3: {  	v8 =	vimm.f32 $0.0e+00;
	v30 =	vld [tilespmem:s8+$0x9130];
	v21 =	vsub.f32 v37, v38;
	v5 =	vsub.f32 v39, v41  }
0xb4: {  	s10 =	simm.s32 $0x400;
	v7 =	vimm.f32 $0.0e+00;
	v24 =	vsub.f32 v24, v31;
	v4 =	vsub.f32 v42, v43;
	v31 =	vld [tilespmem:s8+$0x2D40]  }
.LBB2_5:
0xb5: {  	p1 =	sne.s32 s10, $0x4C00;
	v32 =	vld [tilespmem:s8+$0x9140];
	v6 =	vsub.f32 v6, v10;
	v10 =	vsub.f32 v12, v14  }
0xb6: {  	v12 =	vsub.f32 v18, v20;
	v13 =	vsub.f32 v13, v16;
	v14 =	vld [tilespmem:s8+$0x2D80]  }
0xb7: {  	v16 =	vsub.f32 v25, v28;
	v18 =	vsub.f32 v19, v22;
	v19 =	vld [tilespmem:s8+$0x9180];
	s8 =	sshra.s32 s10, $0x2  }
0xb8: {  	v22 =	vmul.f32 v23, v23;
	v21 =	vmul.f32 v21, v21;
	v20 =	vsub.f32 v26, v29;
	v33 =	vld [tilespmem:s8+$0x2DD0]  }
0xb9: {  	v24 =	vmul.f32 v24, v24;
	v6 =	vmul.f32 v6, v6;
	v25 =	vsub.f32 v27, v30;
	v23 =	vld [tilespmem:s8+$0x91D0]  }
0xba: {  	v12 =	vmul.f32 v12, v12;
	v18 =	vmul.f32 v18, v18;
	v34 =	vld [tilespmem:s8+$0x2DE0];
	v26 =	vsub.f32 v31, v32  }
0xbb: {  	v15 =	vsub.f32 v15, v17;
	v16 =	vmul.f32 v16, v16;
	v20 =	vmul.f32 v20, v20;
	v31 =	vld [tilespmem:s8+$0x91E0]  }
0xbc: {  	v17 =	vmul.f32 v25, v25;
	v32 =	vld [tilespmem:s8+$0x2DF0];
	v25 =	vmul.f32 v26, v26;
	v14 =	vsub.f32 v14, v19  }
0xbd: {  	v15 =	vmul.f32 v15, v15;
	v8 =	vadd.f32 v16, v8;
	v11 =	vadd.f32 v20, v11;
	v35 =	vld [tilespmem:s8+$0x91F0]  }
0xbe: {  	v9 =	vadd.f32 v17, v9;
	v36 =	vld [tilespmem:s8+$0x2E00];
	v7 =	vadd.f32 v25, v7;
	v14 =	vmul.f32 v14, v14  }
0xbf: {  	v10 =	vmul.f32 v10, v10;
	v8 =	vadd.f32 v12, v8;
	v11 =	vadd.f32 v18, v11;
	v37 =	vld [tilespmem:s8+$0x9200]  }
0xc0: {  	v12 =	vmul.f32 v13, v13;
	v9 =	vadd.f32 v15, v9;
	v38 =	vld [tilespmem:s8+$0x2D90];
	v7 =	vadd.f32 v14, v7  }
0xc1: {  	v5 =	vmul.f32 v5, v5;
	v8 =	vadd.f32 v24, v8;
	v11 =	vadd.f32 v6, v11;
	v39 =	vld [tilespmem:s8+$0x9190]  }
0xc2: {  	v4 =	vmul.f32 v4, v4;
	v9 =	vadd.f32 v10, v9;
	v6 =	vld [tilespmem:s8+$0x2DA0];
	v7 =	vadd.f32 v12, v7  }
0xc3: {  	v8 =	vadd.f32 v22, v8;
	v11 =	vadd.f32 v21, v11;
	v10 =	vld [tilespmem:s8+$0x91A0]  }
0xc4: {  	v9 =	vadd.f32 v5, v9;
	v12 =	vld [tilespmem:s8+$0x2DB0];
	v7 =	vadd.f32 v4, v7  }
0xc5: {  	v14 =	vld [tilespmem:s8+$0x91B0]  }
0xc6: {  	v13 =	vld [tilespmem:s8+$0x2DC0]  }
0xc7: {  	v16 =	vld [tilespmem:s8+$0x91C0]  }
0xc8: {  	v18 =	vld [tilespmem:s8+$0x2D50]  }
0xc9: {  	v20 =	vld [tilespmem:s8+$0x9150]  }
0xca: {  	v19 =	vld [tilespmem:s8+$0x2D60]  }
0xcb: {  	v22 =	vld [tilespmem:s8+$0x9160]  }
0xcc: {  	v15 =	vld [tilespmem:s8+$0x2D70]  }
0xcd: {  	v17 =	vld [tilespmem:s8+$0x9170]  }
0xce: {  	v25 =	vld [tilespmem:s8+$0x2D10]  }
0xcf: {  	v28 =	vld [tilespmem:s8+$0x9110]  }
.Ltmp3:
0xd0: {  	v26 =	vld [tilespmem:s8+$0x2D20];
	(pc) =	sbr.rel @p1 .LBB2_5-.Ltmp3, $4  }
0xd1: {  	v29 =	vld [tilespmem:s8+$0x9120]  }
0xd2: {  	v23 =	vsub.f32 v33, v23;
	v27 =	vld [tilespmem:s8+$0x2D30]  }
0xd3: {  	v21 =	vsub.f32 v34, v31;
	v5 =	vsub.f32 v32, v35;
	v30 =	vld [tilespmem:s8+$0x9130]  }
0xd4: {  	s10 =	sadd.s32 $0x400, s10;
	v4 =	vsub.f32 v36, v37;
	v24 =	vsub.f32 v38, v39;
	v31 =	vld [tilespmem:s8+$0x2D40]  }
0xd5: {  	s10 =	sadd.s32 @!p0 s25, s26  }
0xd6: {  	p1 =	slt.s32 @!p0 s10, $0x4E1  }
0xd7: {  	p1 =	por !p1, p0  }
0xd8: {  	s10 =	simm.s32 @p1 $0x4E1  }
0xd9: {  	v32 =	vld [tilespmem:s8+$0x9140];
	s10 =	ssub.s32 @!p0 s10, s6  }
0xda: {  	v33 =	vld [tilespmem:s8+$0x2D80];
	s10 =	smul.u32 @!p0 $0x50, s10  }
0xdb: {  	v34 =	vld [tilespmem:s8+$0x9180];
	s8 =	simm.s32 @!p0 $0x50;
	s12 =	simm.s32 @!p0 $0x2D10  }
0xdc: {  	[tilespmem:s12], [sflag:$0x2] =	stream.indirect.gather @!p0 [hbm4b:s4+s8], $0x40, s10, s8, $0xb8;
	[tilespmem:$0xE110] =	vst v63  }
0xdd: {  	s10 =	sadd.s32 @!p0 $0xC80, s10;
	s12 =	simm.s32 @!p0 $0x9110  }
0xde: {  	[tilespmem:s12], [sflag:$0x2] =	stream.indirect.gather @!p0 [hbm4b:s5+s8], $0x40, s10, s8, $0xb8;
	[tilespmem:$0xE110] =	vst v63  }
0xdf: {  	_ =	swait.ge [sflag:s19], $0x1400  }
0xe0: {  	[sflag:s19] =	ssyncset.done $0x0  }
0xe1: {  	[sflag:s19] =	ssyncadd.s32 $0xFFFFEC00  }
0xe2: {  	_ =	swait.ge [sflag:s19], $0x1400  }
0xe3: {  	[sflag:s19] =	ssyncset.done $0x0  }
0xe4: {  	s8 =	simm.s32 $0x0;
	[sflag:s19] =	ssyncadd.s32 $0xFFFFEC00  }
0xe5: {  	v35 =	vld [tilespmem:s8+$0x41D0]  }
0xe6: {  	v36 =	vld [tilespmem:s8+$0xA5D0]  }
0xe7: {  	v37 =	vld [tilespmem:s8+$0x41E0]  }
0xe8: {  	v38 =	vld [tilespmem:s8+$0xA5E0]  }
0xe9: {  	v39 =	vld [tilespmem:s8+$0x41F0]  }
0xea: {  	v10 =	vsub.f32 v6, v10;
	v40 =	vld [tilespmem:s8+$0xA5F0]  }
0xeb: {  	v41 =	vsub.f32 v12, v14;
	v12 =	vsub.f32 v18, v20;
	v42 =	vld [tilespmem:s8+$0x4200]  }
0xec: {  	v20 =	vsub.f32 v13, v16;
	v6 =	vsub.f32 v25, v28;
	v43 =	vld [tilespmem:s8+$0xA600]  }
0xed: {  	v13 =	vsub.f32 v19, v22;
	v14 =	vsub.f32 v26, v29;
	v44 =	vld [tilespmem:s8+$0x4190]  }
0xee: {  	v15 =	vsub.f32 v15, v17;
	v19 =	vmul.f32 v6, v6;
	v18 =	vsub.f32 v31, v32;
	v31 =	vld [tilespmem:s8+$0xA590]  }
0xef: {  	v22 =	vmul.f32 v12, v12;
	v16 =	vsub.f32 v27, v30;
	v14 =	vmul.f32 v14, v14;
	v6 =	vld [tilespmem:s8+$0x41A0]  }
0xf0: {  	v13 =	vmul.f32 v13, v13;
	v15 =	vmul.f32 v15, v15;
	v19 =	vadd.f32 v19, v8;
	v8 =	vld [tilespmem:s8+$0xA5A0]  }
0xf1: {  	v17 =	vsub.f32 v33, v34;
	v16 =	vmul.f32 v16, v16;
	v11 =	vadd.f32 v14, v11;
	v12 =	vld [tilespmem:s8+$0x41B0]  }
0xf2: {  	v19 =	vadd.f32 v22, v19;
	v22 =	vmul.f32 v23, v23;
	v18 =	vmul.f32 v18, v18;
	v14 =	vld [tilespmem:s8+$0xA5B0]  }
0xf3: {  	v23 =	vmul.f32 v24, v24;
	v9 =	vadd.f32 v16, v9;
	v11 =	vadd.f32 v13, v11;
	v13 =	vld [tilespmem:s8+$0x41C0]  }
0xf4: {  	v10 =	vmul.f32 v10, v10;
	v17 =	vmul.f32 v17, v17;
	v7 =	vadd.f32 v18, v7;
	v16 =	vld [tilespmem:s8+$0xA5C0]  }
0xf5: {  	v23 =	vadd.f32 v23, v19;
	v9 =	vadd.f32 v15, v9;
	v15 =	vmul.f32 v41, v41;
	v18 =	vld [tilespmem:s8+$0x4150]  }
0xf6: {  	v7 =	vadd.f32 v17, v7;
	v17 =	vmul.f32 v21, v21;
	v21 =	vmul.f32 v20, v20;
	v20 =	vld [tilespmem:s8+$0xA550]  }
0xf7: {  	v10 =	vadd.f32 v10, v11;
	v19 =	vld [tilespmem:s8+$0x4160]  }
0xf8: {  	v5 =	vmul.f32 v5, v5;
	s12 =	sadd.s32 s25, s7;
	v11 =	vadd.f32 v22, v23;
	v9 =	vadd.f32 v15, v9;
	v22 =	vld [tilespmem:s8+$0xA560]  }
0xf9: {  	v4 =	vmul.f32 v4, v4;
	s10 =	simm.f32 $1.000000000e+00;
	p1 =	slt.u32 s12, $0x4E2;
	v7 =	vadd.f32 v21, v7;
	v15 =	vld [tilespmem:s8+$0x4170]  }
0xfa: {  	s10 =	simm.s32 @!p1 $0x0;
	v10 =	vadd.f32 v17, v10;
	v5 =	vadd.f32 v5, v9;
	v17 =	vld [tilespmem:s8+$0xA570]  }
0xfb: {  	v4 =	vadd.f32 v4, v7;
	v7 =	vmul.f32 s10, v11;
	v25 =	vld [tilespmem:s8+$0x4110]  }
0xfc: {  	v9 =	vmul.f32 s10, v10;
	v5 =	vmul.f32 s10, v5;
	v28 =	vld [tilespmem:s8+$0xA510]  }
0xfd: {  	v26 =	vld [tilespmem:s8+$0x4120];
	v3 =	vadd.f32 v7, v3;
	v4 =	vmul.f32 s10, v4  }
0xfe: {  	v11 =	vimm.f32 $0.0e+00;
	v29 =	vld [tilespmem:s8+$0xA520];
	v2 =	vadd.f32 v9, v2;
	v1 =	vadd.f32 v5, v1  }
0xff: {  	v10 =	vimm.f32 $0.0e+00;
	v27 =	vld [tilespmem:s8+$0x4130];
	v0 =	vadd.f32 v4, v0;
	v23 =	vsub.f32 v35, v36  }
0x100: {  	v30 =	vld [tilespmem:s8+$0xA530];
	v9 =	vimm.f32 $0.0e+00;
	v21 =	vsub.f32 v37, v38;
	v5 =	vsub.f32 v39, v40  }
0x101: {  	s10 =	simm.s32 $0x400;
	v7 =	vimm.f32 $0.0e+00;
	v24 =	vsub.f32 v44, v31;
	v4 =	vsub.f32 v42, v43;
	v31 =	vld [tilespmem:s8+$0x4140]  }
.LBB2_7:
0x102: {  	p1 =	sne.s32 s10, $0x4C00;
	v32 =	vld [tilespmem:s8+$0xA540];
	v6 =	vsub.f32 v6, v8;
	v8 =	vsub.f32 v12, v14  }
0x103: {  	v12 =	vsub.f32 v18, v20;
	v13 =	vsub.f32 v13, v16;
	v14 =	vld [tilespmem:s8+$0x4180]  }
0x104: {  	v16 =	vsub.f32 v25, v28;
	v18 =	vsub.f32 v19, v22;
	v19 =	vld [tilespmem:s8+$0xA580];
	s8 =	sshra.s32 s10, $0x2  }
0x105: {  	v22 =	vmul.f32 v23, v23;
	v21 =	vmul.f32 v21, v21;
	v20 =	vsub.f32 v26, v29;
	v33 =	vld [tilespmem:s8+$0x41D0]  }
0x106: {  	v24 =	vmul.f32 v24, v24;
	v6 =	vmul.f32 v6, v6;
	v25 =	vsub.f32 v27, v30;
	v23 =	vld [tilespmem:s8+$0xA5D0]  }
0x107: {  	v12 =	vmul.f32 v12, v12;
	v18 =	vmul.f32 v18, v18;
	v34 =	vld [tilespmem:s8+$0x41E0];
	v26 =	vsub.f32 v31, v32  }
0x108: {  	v15 =	vsub.f32 v15, v17;
	v16 =	vmul.f32 v16, v16;
	v20 =	vmul.f32 v20, v20;
	v31 =	vld [tilespmem:s8+$0xA5E0]  }
0x109: {  	v17 =	vmul.f32 v25, v25;
	v32 =	vld [tilespmem:s8+$0x41F0];
	v25 =	vmul.f32 v26, v26;
	v14 =	vsub.f32 v14, v19  }
0x10a: {  	v15 =	vmul.f32 v15, v15;
	v9 =	vadd.f32 v16, v9;
	v11 =	vadd.f32 v20, v11;
	v35 =	vld [tilespmem:s8+$0xA5F0]  }
0x10b: {  	v10 =	vadd.f32 v17, v10;
	v36 =	vld [tilespmem:s8+$0x4200];
	v7 =	vadd.f32 v25, v7;
	v14 =	vmul.f32 v14, v14  }
0x10c: {  	v8 =	vmul.f32 v8, v8;
	v9 =	vadd.f32 v12, v9;
	v11 =	vadd.f32 v18, v11;
	v37 =	vld [tilespmem:s8+$0xA600]  }
0x10d: {  	v12 =	vmul.f32 v13, v13;
	v10 =	vadd.f32 v15, v10;
	v38 =	vld [tilespmem:s8+$0x4190];
	v7 =	vadd.f32 v14, v7  }
0x10e: {  	v5 =	vmul.f32 v5, v5;
	v9 =	vadd.f32 v24, v9;
	v11 =	vadd.f32 v6, v11;
	v39 =	vld [tilespmem:s8+$0xA590]  }
0x10f: {  	v4 =	vmul.f32 v4, v4;
	v10 =	vadd.f32 v8, v10;
	v6 =	vld [tilespmem:s8+$0x41A0];
	v7 =	vadd.f32 v12, v7  }
0x110: {  	v9 =	vadd.f32 v22, v9;
	v11 =	vadd.f32 v21, v11;
	v8 =	vld [tilespmem:s8+$0xA5A0]  }
0x111: {  	v10 =	vadd.f32 v5, v10;
	v12 =	vld [tilespmem:s8+$0x41B0];
	v7 =	vadd.f32 v4, v7  }
0x112: {  	v14 =	vld [tilespmem:s8+$0xA5B0]  }
0x113: {  	v13 =	vld [tilespmem:s8+$0x41C0]  }
0x114: {  	v16 =	vld [tilespmem:s8+$0xA5C0]  }
0x115: {  	v18 =	vld [tilespmem:s8+$0x4150]  }
0x116: {  	v20 =	vld [tilespmem:s8+$0xA550]  }
0x117: {  	v19 =	vld [tilespmem:s8+$0x4160]  }
0x118: {  	v22 =	vld [tilespmem:s8+$0xA560]  }
0x119: {  	v15 =	vld [tilespmem:s8+$0x4170]  }
0x11a: {  	v17 =	vld [tilespmem:s8+$0xA570]  }
0x11b: {  	v25 =	vld [tilespmem:s8+$0x4110]  }
0x11c: {  	v28 =	vld [tilespmem:s8+$0xA510]  }
.Ltmp4:
0x11d: {  	v26 =	vld [tilespmem:s8+$0x4120];
	(pc) =	sbr.rel @p1 .LBB2_7-.Ltmp4, $4  }
0x11e: {  	v29 =	vld [tilespmem:s8+$0xA520]  }
0x11f: {  	v23 =	vsub.f32 v33, v23;
	v27 =	vld [tilespmem:s8+$0x4130]  }
0x120: {  	v21 =	vsub.f32 v34, v31;
	v5 =	vsub.f32 v32, v35;
	v30 =	vld [tilespmem:s8+$0xA530]  }
0x121: {  	s10 =	sadd.s32 $0x400, s10;
	v4 =	vsub.f32 v36, v37;
	v24 =	vsub.f32 v38, v39;
	v31 =	vld [tilespmem:s8+$0x4140]  }
0x122: {  	s10 =	sadd.s32 @!p0 s25, s28  }
0x123: {  	p1 =	slt.s32 @!p0 s10, $0x4E1  }
0x124: {  	p1 =	por !p1, p0  }
0x125: {  	s10 =	simm.s32 @p1 $0x4E1  }
0x126: {  	v32 =	vld [tilespmem:s8+$0xA540];
	s10 =	ssub.s32 @!p0 s10, s6  }
0x127: {  	v33 =	vld [tilespmem:s8+$0x4180];
	s10 =	smul.u32 @!p0 $0x50, s10  }
0x128: {  	v34 =	vld [tilespmem:s8+$0xA580];
	s8 =	simm.s32 @!p0 $0x50;
	s12 =	simm.s32 @!p0 $0x4110  }
0x129: {  	[tilespmem:s12], [sflag:$0x3] =	stream.indirect.gather @!p0 [hbm4b:s4+s8], $0x40, s10, s8, $0xb8;
	[tilespmem:$0xE110] =	vst v63  }
0x12a: {  	s10 =	sadd.s32 @!p0 $0xC80, s10;
	s12 =	simm.s32 @!p0 $0xA510  }
0x12b: {  	[tilespmem:s12], [sflag:$0x3] =	stream.indirect.gather @!p0 [hbm4b:s5+s8], $0x40, s10, s8, $0xb8;
	[tilespmem:$0xE110] =	vst v63  }
0x12c: {  	_ =	swait.ge [sflag:s20], $0x1400  }
0x12d: {  	[sflag:s20] =	ssyncset.done $0x0  }
0x12e: {  	[sflag:s20] =	ssyncadd.s32 $0xFFFFEC00  }
0x12f: {  	_ =	swait.ge [sflag:s20], $0x1400  }
0x130: {  	[sflag:s20] =	ssyncset.done $0x0  }
0x131: {  	s8 =	simm.s32 $0x0;
	[sflag:s20] =	ssyncadd.s32 $0xFFFFEC00  }
0x132: {  	v35 =	vld [tilespmem:s8+$0x55D0]  }
0x133: {  	v36 =	vld [tilespmem:s8+$0xB9D0]  }
0x134: {  	v37 =	vld [tilespmem:s8+$0x55E0]  }
0x135: {  	v38 =	vld [tilespmem:s8+$0xB9E0]  }
0x136: {  	v39 =	vld [tilespmem:s8+$0x55F0]  }
0x137: {  	v40 =	vsub.f32 v6, v8;
	v41 =	vld [tilespmem:s8+$0xB9F0]  }
0x138: {  	v42 =	vsub.f32 v12, v14;
	v12 =	vsub.f32 v18, v20;
	v43 =	vld [tilespmem:s8+$0x5600]  }
0x139: {  	v20 =	vsub.f32 v13, v16;
	v6 =	vsub.f32 v25, v28;
	v44 =	vld [tilespmem:s8+$0xBA00]  }
0x13a: {  	v13 =	vsub.f32 v19, v22;
	v8 =	vsub.f32 v26, v29;
	v45 =	vld [tilespmem:s8+$0x5590]  }
0x13b: {  	v18 =	vmul.f32 v6, v6;
	v14 =	vsub.f32 v27, v30;
	v16 =	vsub.f32 v31, v32;
	v31 =	vld [tilespmem:s8+$0xB990]  }
0x13c: {  	v15 =	vsub.f32 v15, v17;
	v13 =	vmul.f32 v13, v13;
	v17 =	vmul.f32 v8, v8;
	v6 =	vld [tilespmem:s8+$0x55A0]  }
0x13d: {  	v9 =	vadd.f32 v18, v9;
	v18 =	vmul.f32 v12, v12;
	v14 =	vmul.f32 v14, v14;
	v8 =	vld [tilespmem:s8+$0xB9A0]  }
0x13e: {  	v15 =	vmul.f32 v15, v15;
	v19 =	vsub.f32 v33, v34;
	v11 =	vadd.f32 v17, v11;
	v12 =	vld [tilespmem:s8+$0x55B0]  }
0x13f: {  	v9 =	vadd.f32 v18, v9;
	v16 =	vmul.f32 v16, v16;
	v10 =	vadd.f32 v14, v10;
	v14 =	vld [tilespmem:s8+$0xB9B0]  }
0x140: {  	v17 =	vmul.f32 v19, v19;
	v11 =	vadd.f32 v13, v11;
	v19 =	vmul.f32 v24, v24;
	v13 =	vld [tilespmem:s8+$0x55C0]  }
0x141: {  	v22 =	vmul.f32 v23, v23;
	v23 =	vmul.f32 v42, v42;
	v7 =	vadd.f32 v16, v7;
	v16 =	vld [tilespmem:s8+$0xB9C0]  }
0x142: {  	v10 =	vadd.f32 v15, v10;
	v15 =	vmul.f32 v40, v40;
	v9 =	vadd.f32 v19, v9;
	v18 =	vld [tilespmem:s8+$0x5550]  }
0x143: {  	v7 =	vadd.f32 v17, v7;
	v17 =	vmul.f32 v21, v21;
	v21 =	vmul.f32 v20, v20;
	v20 =	vld [tilespmem:s8+$0xB950]  }
0x144: {  	v11 =	vadd.f32 v15, v11;
	v19 =	vld [tilespmem:s8+$0x5560]  }
0x145: {  	v5 =	vmul.f32 v5, v5;
	s12 =	sadd.s32 s25, s9;
	v10 =	vadd.f32 v23, v10;
	v9 =	vadd.f32 v22, v9;
	v22 =	vld [tilespmem:s8+$0xB960]  }
0x146: {  	v4 =	vmul.f32 v4, v4;
	s10 =	simm.f32 $1.000000000e+00;
	p1 =	slt.u32 s12, $0x4E2;
	v7 =	vadd.f32 v21, v7;
	v15 =	vld [tilespmem:s8+$0x5570]  }
0x147: {  	s10 =	simm.s32 @!p1 $0x0;
	v11 =	vadd.f32 v17, v11;
	v5 =	vadd.f32 v5, v10;
	v17 =	vld [tilespmem:s8+$0xB970]  }
0x148: {  	v4 =	vadd.f32 v4, v7;
	v7 =	vmul.f32 s10, v9;
	v25 =	vld [tilespmem:s8+$0x5510]  }
0x149: {  	v9 =	vmul.f32 s10, v11;
	v5 =	vmul.f32 s10, v5;
	v28 =	vld [tilespmem:s8+$0xB910]  }
0x14a: {  	v26 =	vld [tilespmem:s8+$0x5520];
	v3 =	vadd.f32 v7, v3;
	v4 =	vmul.f32 s10, v4  }
0x14b: {  	v10 =	vimm.f32 $0.0e+00;
	v29 =	vld [tilespmem:s8+$0xB920];
	v2 =	vadd.f32 v9, v2;
	v1 =	vadd.f32 v5, v1  }
0x14c: {  	v11 =	vimm.f32 $0.0e+00;
	v27 =	vld [tilespmem:s8+$0x5530];
	v0 =	vadd.f32 v4, v0;
	v23 =	vsub.f32 v35, v36  }
0x14d: {  	v30 =	vld [tilespmem:s8+$0xB930];
	v9 =	vimm.f32 $0.0e+00;
	v21 =	vsub.f32 v37, v38;
	v5 =	vsub.f32 v39, v41  }
0x14e: {  	s10 =	simm.s32 $0x400;
	v7 =	vimm.f32 $0.0e+00;
	v24 =	vsub.f32 v45, v31;
	v4 =	vsub.f32 v43, v44;
	v31 =	vld [tilespmem:s8+$0x5540]  }
.LBB2_9:
0x14f: {  	p1 =	sne.s32 s10, $0x4C00;
	v32 =	vld [tilespmem:s8+$0xB940];
	v6 =	vsub.f32 v6, v8;
	v8 =	vsub.f32 v12, v14  }
0x150: {  	v12 =	vsub.f32 v18, v20;
	v13 =	vsub.f32 v13, v16;
	v14 =	vld [tilespmem:s8+$0x5580]  }
0x151: {  	v16 =	vsub.f32 v25, v28;
	v18 =	vsub.f32 v19, v22;
	v19 =	vld [tilespmem:s8+$0xB980];
	s8 =	sshra.s32 s10, $0x2  }
0x152: {  	v22 =	vmul.f32 v23, v23;
	v21 =	vmul.f32 v21, v21;
	v20 =	vsub.f32 v26, v29;
	v33 =	vld [tilespmem:s8+$0x55D0]  }
0x153: {  	v24 =	vmul.f32 v24, v24;
	v6 =	vmul.f32 v6, v6;
	v25 =	vsub.f32 v27, v30;
	v23 =	vld [tilespmem:s8+$0xB9D0]  }
0x154: {  	v12 =	vmul.f32 v12, v12;
	v18 =	vmul.f32 v18, v18;
	v34 =	vld [tilespmem:s8+$0x55E0];
	v26 =	vsub.f32 v31, v32  }
0x155: {  	v15 =	vsub.f32 v15, v17;
	v16 =	vmul.f32 v16, v16;
	v20 =	vmul.f32 v20, v20;
	v31 =	vld [tilespmem:s8+$0xB9E0]  }
0x156: {  	v17 =	vmul.f32 v25, v25;
	v32 =	vld [tilespmem:s8+$0x55F0];
	v25 =	vmul.f32 v26, v26;
	v14 =	vsub.f32 v14, v19  }
0x157: {  	v15 =	vmul.f32 v15, v15;
	v9 =	vadd.f32 v16, v9;
	v11 =	vadd.f32 v20, v11;
	v35 =	vld [tilespmem:s8+$0xB9F0]  }
0x158: {  	v10 =	vadd.f32 v17, v10;
	v36 =	vld [tilespmem:s8+$0x5600];
	v7 =	vadd.f32 v25, v7;
	v14 =	vmul.f32 v14, v14  }
0x159: {  	v8 =	vmul.f32 v8, v8;
	v9 =	vadd.f32 v12, v9;
	v11 =	vadd.f32 v18, v11;
	v37 =	vld [tilespmem:s8+$0xBA00]  }
0x15a: {  	v12 =	vmul.f32 v13, v13;
	v10 =	vadd.f32 v15, v10;
	v38 =	vld [tilespmem:s8+$0x5590];
	v7 =	vadd.f32 v14, v7  }
0x15b: {  	v5 =	vmul.f32 v5, v5;
	v9 =	vadd.f32 v24, v9;
	v11 =	vadd.f32 v6, v11;
	v39 =	vld [tilespmem:s8+$0xB990]  }
0x15c: {  	v4 =	vmul.f32 v4, v4;
	v10 =	vadd.f32 v8, v10;
	v6 =	vld [tilespmem:s8+$0x55A0];
	v7 =	vadd.f32 v12, v7  }
0x15d: {  	v9 =	vadd.f32 v22, v9;
	v11 =	vadd.f32 v21, v11;
	v8 =	vld [tilespmem:s8+$0xB9A0]  }
0x15e: {  	v10 =	vadd.f32 v5, v10;
	v12 =	vld [tilespmem:s8+$0x55B0];
	v7 =	vadd.f32 v4, v7  }
0x15f: {  	v14 =	vld [tilespmem:s8+$0xB9B0]  }
0x160: {  	v13 =	vld [tilespmem:s8+$0x55C0]  }
0x161: {  	v16 =	vld [tilespmem:s8+$0xB9C0]  }
0x162: {  	v18 =	vld [tilespmem:s8+$0x5550]  }
0x163: {  	v20 =	vld [tilespmem:s8+$0xB950]  }
0x164: {  	v19 =	vld [tilespmem:s8+$0x5560]  }
0x165: {  	v22 =	vld [tilespmem:s8+$0xB960]  }
0x166: {  	v15 =	vld [tilespmem:s8+$0x5570]  }
0x167: {  	v17 =	vld [tilespmem:s8+$0xB970]  }
0x168: {  	v25 =	vld [tilespmem:s8+$0x5510]  }
0x169: {  	v28 =	vld [tilespmem:s8+$0xB910]  }
.Ltmp5:
0x16a: {  	v26 =	vld [tilespmem:s8+$0x5520];
	(pc) =	sbr.rel @p1 .LBB2_9-.Ltmp5, $4  }
0x16b: {  	v29 =	vld [tilespmem:s8+$0xB920]  }
0x16c: {  	v23 =	vsub.f32 v33, v23;
	v27 =	vld [tilespmem:s8+$0x5530]  }
0x16d: {  	v21 =	vsub.f32 v34, v31;
	v5 =	vsub.f32 v32, v35;
	v30 =	vld [tilespmem:s8+$0xB930]  }
0x16e: {  	s10 =	sadd.s32 $0x400, s10;
	v4 =	vsub.f32 v36, v37;
	v24 =	vsub.f32 v38, v39;
	v31 =	vld [tilespmem:s8+$0x5540]  }
0x16f: {  	s10 =	sadd.s32 @!p0 s25, s29  }
0x170: {  	p1 =	slt.s32 @!p0 s10, $0x4E1  }
0x171: {  	p1 =	por !p1, p0  }
0x172: {  	s10 =	simm.s32 @p1 $0x4E1  }
0x173: {  	v32 =	vld [tilespmem:s8+$0xB940];
	s10 =	ssub.s32 @!p0 s10, s6  }
0x174: {  	v33 =	vld [tilespmem:s8+$0x5580];
	s10 =	smul.u32 @!p0 $0x50, s10  }
0x175: {  	v34 =	vld [tilespmem:s8+$0xB980];
	s8 =	simm.s32 @!p0 $0x50;
	s12 =	simm.s32 @!p0 $0x5510  }
0x176: {  	[tilespmem:s12], [sflag:$0x4] =	stream.indirect.gather @!p0 [hbm4b:s4+s8], $0x40, s10, s8, $0xb8;
	[tilespmem:$0xE110] =	vst v63  }
0x177: {  	s10 =	sadd.s32 @!p0 $0xC80, s10;
	s12 =	simm.s32 @!p0 $0xB910  }
0x178: {  	[tilespmem:s12], [sflag:$0x4] =	stream.indirect.gather @!p0 [hbm4b:s5+s8], $0x40, s10, s8, $0xb8;
	[tilespmem:$0xE110] =	vst v63  }
0x179: {  	_ =	swait.ge [sflag:s21], $0x1400  }
0x17a: {  	[sflag:s21] =	ssyncset.done $0x0  }
0x17b: {  	[sflag:s21] =	ssyncadd.s32 $0xFFFFEC00  }
0x17c: {  	_ =	swait.ge [sflag:s21], $0x1400  }
0x17d: {  	[sflag:s21] =	ssyncset.done $0x0  }
0x17e: {  	s8 =	simm.s32 $0x0;
	[sflag:s21] =	ssyncadd.s32 $0xFFFFEC00  }
0x17f: {  	v35 =	vld [tilespmem:s8+$0x69D0]  }
0x180: {  	v36 =	vld [tilespmem:s8+$0xCDD0]  }
0x181: {  	v37 =	vld [tilespmem:s8+$0x69E0]  }
0x182: {  	v38 =	vld [tilespmem:s8+$0xCDE0]  }
0x183: {  	v39 =	vld [tilespmem:s8+$0x69F0]  }
0x184: {  	v40 =	vsub.f32 v6, v8;
	v41 =	vld [tilespmem:s8+$0xCDF0]  }
0x185: {  	v42 =	vsub.f32 v12, v14;
	v12 =	vsub.f32 v18, v20;
	v43 =	vld [tilespmem:s8+$0x6A00]  }
0x186: {  	v13 =	vsub.f32 v13, v16;
	v6 =	vsub.f32 v25, v28;
	v28 =	vld [tilespmem:s8+$0xCE00]  }
0x187: {  	v14 =	vsub.f32 v19, v22;
	v8 =	vsub.f32 v26, v29;
	v44 =	vld [tilespmem:s8+$0x6990]  }
0x188: {  	v19 =	vmul.f32 v6, v6;
	v16 =	vsub.f32 v27, v30;
	v18 =	vsub.f32 v31, v32;
	v31 =	vld [tilespmem:s8+$0xCD90]  }
0x189: {  	v15 =	vsub.f32 v15, v17;
	v14 =	vmul.f32 v14, v14;
	v17 =	vmul.f32 v8, v8;
	v6 =	vld [tilespmem:s8+$0x69A0]  }
0x18a: {  	v9 =	vadd.f32 v19, v9;
	v19 =	vmul.f32 v12, v12;
	v16 =	vmul.f32 v16, v16;
	v8 =	vld [tilespmem:s8+$0xCDA0]  }
0x18b: {  	v20 =	vsub.f32 v33, v34;
	v11 =	vadd.f32 v17, v11;
	v18 =	vmul.f32 v18, v18;
	v12 =	vld [tilespmem:s8+$0x69B0]  }
0x18c: {  	v10 =	vadd.f32 v16, v10;
	v16 =	vmul.f32 v15, v15;
	v15 =	vld [tilespmem:s8+$0xCDB0]  }
0x18d: {  	v11 =	vadd.f32 v14, v11;
	v7 =	vadd.f32 v18, v7;
	v18 =	vmul.f32 v20, v20;
	v14 =	vld [tilespmem:s8+$0x69C0]  }
0x18e: {  	v22 =	vmul.f32 v23, v23;
	v17 =	vld [tilespmem:s8+$0xCDC0]  }
0x18f: {  	v9 =	vadd.f32 v19, v9;
	v19 =	vmul.f32 v24, v24;
	v7 =	vadd.f32 v18, v7;
	v18 =	vld [tilespmem:s8+$0x6950]  }
0x190: {  	v23 =	vmul.f32 v42, v42;
	v10 =	vadd.f32 v16, v10;
	v16 =	vmul.f32 v40, v40;
	v20 =	vld [tilespmem:s8+$0xCD50]  }
0x191: {  	v5 =	vmul.f32 v5, v5;
	v13 =	vmul.f32 v13, v13;
	v9 =	vadd.f32 v19, v9;
	v19 =	vld [tilespmem:s8+$0x6960]  }
0x192: {  	v24 =	vmul.f32 v21, v21;
	s12 =	sadd.s32 s25, s11;
	v11 =	vadd.f32 v16, v11;
	v10 =	vadd.f32 v23, v10;
	v21 =	vld [tilespmem:s8+$0xCD60]  }
0x193: {  	v4 =	vmul.f32 v4, v4;
	s10 =	simm.f32 $1.000000000e+00;
	v9 =	vadd.f32 v22, v9;
	p1 =	slt.u32 s12, $0x4E2;
	v7 =	vadd.f32 v13, v7;
	v13 =	vld [tilespmem:s8+$0x6970]  }
0x194: {  	s10 =	simm.s32 @!p1 $0x0;
	v11 =	vadd.f32 v24, v11;
	v5 =	vadd.f32 v5, v10;
	v16 =	vld [tilespmem:s8+$0xCD70]  }
0x195: {  	v4 =	vadd.f32 v4, v7;
	v7 =	vmul.f32 s10, v9;
	v22 =	vld [tilespmem:s8+$0x6910]  }
0x196: {  	v9 =	vmul.f32 s10, v11;
	v5 =	vmul.f32 s10, v5;
	v25 =	vld [tilespmem:s8+$0xCD10]  }
0x197: {  	v23 =	vld [tilespmem:s8+$0x6920];
	v3 =	vadd.f32 v7, v3;
	v4 =	vmul.f32 s10, v4  }
0x198: {  	v10 =	vimm.f32 $0.0e+00;
	v26 =	vld [tilespmem:s8+$0xCD20];
	v2 =	vadd.f32 v9, v2;
	v1 =	vadd.f32 v5, v1  }
0x199: {  	v11 =	vimm.f32 $0.0e+00;
	v24 =	vld [tilespmem:s8+$0x6930];
	v0 =	vadd.f32 v4, v0;
	v27 =	vsub.f32 v35, v36  }
0x19a: {  	v29 =	vld [tilespmem:s8+$0xCD30];
	v9 =	vimm.f32 $0.0e+00;
	v30 =	vsub.f32 v37, v38;
	v5 =	vsub.f32 v39, v41  }
0x19b: {  	s10 =	simm.s32 $0x400;
	v4 =	vimm.f32 $0.0e+00;
	v31 =	vsub.f32 v44, v31;
	v7 =	vsub.f32 v43, v28;
	v28 =	vld [tilespmem:s8+$0x6940]  }
.LBB2_11:
0x19c: {  	p1 =	sne.s32 s10, $0x4C00;
	v32 =	vld [tilespmem:s8+$0xCD40];
	v6 =	vsub.f32 v6, v8;
	v8 =	vsub.f32 v12, v15  }
0x19d: {  	v12 =	vsub.f32 v18, v20;
	v14 =	vsub.f32 v14, v17;
	v15 =	vld [tilespmem:s8+$0x6980]  }
0x19e: {  	v17 =	vsub.f32 v22, v25;
	v18 =	vsub.f32 v19, v21;
	v19 =	vld [tilespmem:s8+$0xCD80];
	s8 =	sshra.s32 s10, $0x2  }
0x19f: {  	v21 =	vmul.f32 v27, v27;
	v22 =	vmul.f32 v30, v30;
	v20 =	vsub.f32 v23, v26;
	v33 =	vld [tilespmem:s8+$0x69D0]  }
0x1a0: {  	v6 =	vmul.f32 v6, v6;
	v23 =	vsub.f32 v24, v29;
	v24 =	vmul.f32 v31, v31;
	v27 =	vld [tilespmem:s8+$0xCDD0]  }
0x1a1: {  	v12 =	vmul.f32 v12, v12;
	v18 =	vmul.f32 v18, v18;
	v30 =	vld [tilespmem:s8+$0x69E0];
	v25 =	vsub.f32 v28, v32  }
0x1a2: {  	v13 =	vsub.f32 v13, v16;
	v17 =	vmul.f32 v17, v17;
	v20 =	vmul.f32 v20, v20;
	v28 =	vld [tilespmem:s8+$0xCDE0]  }
0x1a3: {  	v16 =	vmul.f32 v23, v23;
	v31 =	vld [tilespmem:s8+$0x69F0];
	v23 =	vmul.f32 v25, v25;
	v15 =	vsub.f32 v15, v19  }
0x1a4: {  	v13 =	vmul.f32 v13, v13;
	v4 =	vadd.f32 v17, v4;
	v11 =	vadd.f32 v20, v11;
	v32 =	vld [tilespmem:s8+$0xCDF0]  }
0x1a5: {  	v9 =	vadd.f32 v16, v9;
	v34 =	vld [tilespmem:s8+$0x6A00];
	v10 =	vadd.f32 v23, v10;
	v15 =	vmul.f32 v15, v15  }
0x1a6: {  	v8 =	vmul.f32 v8, v8;
	v4 =	vadd.f32 v12, v4;
	v11 =	vadd.f32 v18, v11;
	v35 =	vld [tilespmem:s8+$0xCE00]  }
0x1a7: {  	v12 =	vmul.f32 v14, v14;
	v9 =	vadd.f32 v13, v9;
	v36 =	vld [tilespmem:s8+$0x6990];
	v10 =	vadd.f32 v15, v10  }
0x1a8: {  	v5 =	vmul.f32 v5, v5;
	v4 =	vadd.f32 v24, v4;
	v11 =	vadd.f32 v6, v11;
	v37 =	vld [tilespmem:s8+$0xCD90]  }
0x1a9: {  	v7 =	vmul.f32 v7, v7;
	v9 =	vadd.f32 v8, v9;
	v6 =	vld [tilespmem:s8+$0x69A0];
	v10 =	vadd.f32 v12, v10  }
0x1aa: {  	v4 =	vadd.f32 v21, v4;
	v11 =	vadd.f32 v22, v11;
	v8 =	vld [tilespmem:s8+$0xCDA0]  }
0x1ab: {  	v9 =	vadd.f32 v5, v9;
	v12 =	vld [tilespmem:s8+$0x69B0];
	v10 =	vadd.f32 v7, v10  }
0x1ac: {  	v15 =	vld [tilespmem:s8+$0xCDB0]  }
0x1ad: {  	v14 =	vld [tilespmem:s8+$0x69C0]  }
0x1ae: {  	v17 =	vld [tilespmem:s8+$0xCDC0]  }
0x1af: {  	v18 =	vld [tilespmem:s8+$0x6950]  }
0x1b0: {  	v20 =	vld [tilespmem:s8+$0xCD50]  }
0x1b1: {  	v19 =	vld [tilespmem:s8+$0x6960]  }
0x1b2: {  	v21 =	vld [tilespmem:s8+$0xCD60]  }
0x1b3: {  	v13 =	vld [tilespmem:s8+$0x6970]  }
0x1b4: {  	v16 =	vld [tilespmem:s8+$0xCD70]  }
0x1b5: {  	v22 =	vld [tilespmem:s8+$0x6910]  }
0x1b6: {  	v25 =	vld [tilespmem:s8+$0xCD10]  }
.Ltmp6:
0x1b7: {  	v23 =	vld [tilespmem:s8+$0x6920];
	(pc) =	sbr.rel @p1 .LBB2_11-.Ltmp6, $4  }
0x1b8: {  	v26 =	vld [tilespmem:s8+$0xCD20]  }
0x1b9: {  	v27 =	vsub.f32 v33, v27;
	v24 =	vld [tilespmem:s8+$0x6930]  }
0x1ba: {  	v30 =	vsub.f32 v30, v28;
	v5 =	vsub.f32 v31, v32;
	v29 =	vld [tilespmem:s8+$0xCD30]  }
0x1bb: {  	s10 =	sadd.s32 $0x400, s10;
	v7 =	vsub.f32 v34, v35;
	v31 =	vsub.f32 v36, v37;
	v28 =	vld [tilespmem:s8+$0x6940]  }
0x1bc: {  	v32 =	vld [tilespmem:s8+$0xCD40];
	v6 =	vsub.f32 v6, v8  }
0x1bd: {  	v48 =	vsub.f32 v12, v15;
	v49 =	vsub.f32 v18, v20;
	v50 =	vld [tilespmem:s8+$0x6980]  }
0x1be: {  	v14 =	vsub.f32 v14, v17;
	v51 =	vsub.f32 v22, v25;
	v53 =	vld [tilespmem:s8+$0xCD80];
	v55 =	vmul.f32 v27, v27  }
0x1bf: {  	v52 =	vsub.f32 v19, v21;
	v56 =	vmul.f32 v30, v30;
	v58 =	vmul.f32 v31, v31  }
0x1c0: {  	v54 =	vsub.f32 v23, v26;
	v6 =	vmul.f32 v6, v6;
	v12 =	vmul.f32 v49, v49  }
0x1c1: {  	v18 =	vmul.f32 v52, v52;
	v57 =	vsub.f32 v24, v29;
	v59 =	vsub.f32 v28, v32  }
0x1c2: {  	v13 =	vsub.f32 v13, v16;
	v17 =	vmul.f32 v51, v51;
	v20 =	vmul.f32 v54, v54  }
0x1c3: {  	v60 =	vmul.f32 v57, v57;
	v15 =	vsub.f32 v50, v53;
	v61 =	vmul.f32 v59, v59  }
0x1c4: {  	v13 =	vmul.f32 v13, v13;
	v4 =	vadd.f32 v17, v4;
	v11 =	vadd.f32 v20, v11  }
0x1c5: {  	v9 =	vadd.f32 v60, v9;
	v15 =	vmul.f32 v15, v15;
	v10 =	vadd.f32 v61, v10  }
0x1c6: {  	v8 =	vmul.f32 v48, v48;
	v4 =	vadd.f32 v12, v4;
	v11 =	vadd.f32 v18, v11  }
0x1c7: {  	v62 =	vmul.f32 v14, v14;
	v9 =	vadd.f32 v13, v9;
	v10 =	vadd.f32 v15, v10  }
0x1c8: {  	v5 =	vmul.f32 v5, v5;
	v4 =	vadd.f32 v58, v4;
	v6 =	vadd.f32 v6, v11  }
0x1c9: {  	s12 =	sadd.s32 s25, s13;
	v7 =	vmul.f32 v7, v7;
	v8 =	vadd.f32 v8, v9;
	v63 =	vadd.f32 v62, v10  }
0x1ca: {  	s8 =	simm.f32 $1.000000000e+00;
	p1 =	slt.u32 s12, $0x4E2;
	v4 =	vadd.f32 v55, v4;
	v6 =	vadd.f32 v56, v6  }
0x1cb: {  	s8 =	simm.s32 @!p1 $0x0;
	v5 =	vadd.f32 v5, v8;
	v7 =	vadd.f32 v7, v63  }
.Ltmp7:
0x1cc: {  	v4 =	vmul.f32 s8, v4;
	v6 =	vmul.f32 s8, v6;
	(pc) =	sbr.rel @p0 .LBB2_14-.Ltmp7, $3  }
0x1cd: {  	v5 =	vmul.f32 s8, v5;
	v7 =	vmul.f32 s8, v7  }
0x1ce: {  	v3 =	vadd.f32 v4, v3;
	v2 =	vadd.f32 v6, v2  }
0x1cf: {  	v1 =	vadd.f32 v5, v1;
	v0 =	vadd.f32 v7, v0;
	_ =	sdelay $0x1  }
0x1d0: {  	s8 =	sadd.s32 s25, s30  }
0x1d1: {  	p0 =	slt.s32 s8, $0x4E1  }
0x1d2: {  	s8 =	simm.s32 @!p0 $0x4E1  }
0x1d3: {  	s8 =	ssub.s32 s8, s6  }
0x1d4: {  	s8 =	smul.u32 $0x50, s8  }
.Ltmp8:
0x1d5: {  	_ = 	snop;
	(pc) =	sbr.rel .LBB2_2-.Ltmp8, $4  }
0x1d6: {  	_ = 	snop  }
0x1d7: {  	[tilespmem:s1], [sflag:$0x5] =	stream.indirect.gather [hbm4b:s4+s0], $0x40, s8, s0, $0xb8;
	[tilespmem:$0xE110] =	vst v63  }
0x1d8: {  	s23 =	sadd.s32 $0x1, s23;
	s8 =	sadd.s32 $0xC80, s8  }
0x1d9: {  	[tilespmem:s15], [sflag:$0x5] =	stream.indirect.gather [hbm4b:s5+s0], $0x40, s8, s0, $0xb8;
	[tilespmem:$0xE110] =	vst v63  }
.LBB2_15:
0x1da: {  	_ =	sfence.sel $0x180000  }
0x1db: {  	[bflag:$0x0] =	sbarrier.arrive $0xFFFF  }
0x1dc: {  	_ =	strace $0x90000047  }
0x1dd: {  	s0 =	stileid.u32;
	[bflag:$0x2] =	sbarrier.arrive $0xFFFF  }
0x1de: {  	p0 =	sne.s32 s0, $0x0;
	s0 =	rddreg [dreg:$0x4]  }
0x1df: {  	s0 =	sadd.s32 @!p0 $0x100000, s0  }
0x1e0: {  	[sflag:s0] =	ssyncadd.tile.s32 @!p0 $0x1;
	_ =	shalt  }
.Lfunc_end2:
_tile_overlayer_lowered:
.L_overlay_start_2:
0x1e1: {  	(tag) =	ssettag $0x2  }
0x1e2: {  	s0 =	rddreg [dreg:$0x0];
	s2 =	stileid.u32  }
0x1e3: {  	s1 =	rddreg [dreg:$0x1];
	p0 =	sne.s32 s2, $0x0  }
0x1e4: {  	s3 =	rddreg [dreg:$0x2];
	[bflag:$0x3] =	sbarrier.arrive $0xFFFF;
	s2 =	simm.s32 @!p0 $0x1C06  }
0x1e5: {  	[timem:s3], [sflag:s2] =	dma.local @!p0 [hbm:s0], s1  }
0x1e6: {  	s0 =	simm.s32 @!p0 $0x6  }
0x1e7: {  	_ =	swait.ge @!p0 [sflag:s0], s1  }
0x1e8: {  	s1 =	ssub.s32 @!p0 $0x0, s1;
	[sflag:s0] =	ssyncset.done @!p0 $0x0  }
0x1e9: {  	[sflag:s0] =	ssyncadd.s32 @!p0 s1  }
0x1ea: {  	[bflag:$0x3] =	sbarrier.arrive $0xFFFF  }
0x1eb: {  	_ =	shalt  }

</sc_bundles>
